<compile_context>
chip_gen: v7x
topology: tpu7x:2x2x1
jax: 0.10.2.dev20260603
libtpu: 0.0.44.dev20260713+nightly
codegen_flags: <defaults>
</compile_context>

<pallas_src>
import functools

import jax
import jax.numpy as jnp
from jax import lax
from jax.experimental import pallas as pl
from jax.experimental.pallas import tpu as pltpu
from jax.experimental.pallas import tpu_sc as plsc

L = 128
NW = 32
NS = 16
IB = 40
NB = 2


def _sc_aggregate(n_pad, n_blocks_total, q_blocks, x, edges, zslab):
    n = x.shape[0]
    d = x.shape[1]
    rows_per_tile = n_pad // NS
    last_full = (n // rows_per_tile) * rows_per_tile
    tail_x = n - last_full
    tail_z = n_pad - n

    mesh = plsc.VectorSubcoreMesh(core_axis_name="c", subcore_axis_name="s")

    @functools.partial(
        pl.kernel,
        out_type=(
            jax.ShapeDtypeStruct((n_pad, d), jnp.float32),
            jax.ShapeDtypeStruct((n_pad, d), jnp.float32),
        ),
        mesh=mesh,
        scratch_types=[
            pltpu.VMEM_SHARED((n_pad, d), jnp.float32),
            pltpu.VMEM((IB * L,), jnp.int32),
            pltpu.VMEM((IB * L,), jnp.int32),
            pltpu.VMEM((NB, L), jnp.int32),
        ]
        + [pltpu.VMEM((L, d), jnp.float32)] * NB
        + [pltpu.SemaphoreType.DMA] * (2 * NB),
    )
    def agg(x_hbm, edge_hbm, zslab_hbm, p0_hbm, p1_hbm,
            acc, src_idx, dst_idx, dst_row, *bufs_sems):
        rows = bufs_sems[:NB]
        gsem = bufs_sems[NB:2 * NB]
        ssem = bufs_sems[2 * NB:]
        cid = lax.axis_index("c")
        sid = lax.axis_index("s")
        wid = sid * 2 + cid
        block_off = wid * q_blocks
        n_blocks = jnp.minimum(
            q_blocks, jnp.maximum(0, n_blocks_total - block_off))

        ibase = sid * rows_per_tile

        @pl.when((cid == 0) & (ibase + rows_per_tile <= last_full))
        def _():
            pltpu.sync_copy(x_hbm.at[pl.ds(ibase, rows_per_tile)],
                            acc.at[pl.ds(ibase, rows_per_tile)])

        @pl.when((cid == 0) & (ibase + rows_per_tile > last_full))
        def _():
            if tail_x:
                pltpu.sync_copy(x_hbm.at[pl.ds(last_full, tail_x)],
                                acc.at[pl.ds(last_full, tail_x)])
            pltpu.sync_copy(zslab_hbm.at[pl.ds(0, tail_z)],
                            acc.at[pl.ds(n, tail_z)])

        @pl.when(cid != 0)
        def _():
            pltpu.sync_copy(zslab_hbm,
                            acc.at[pl.ds(ibase, rows_per_tile)])

        plsc.subcore_barrier()

        def gissue(j, b):
            pltpu.async_copy(
                x_hbm.at[src_idx.at[pl.ds(j * L, L)]], rows[b], gsem[b])

        def gwait(b):
            pltpu.make_async_copy(
                x_hbm.at[src_idx.at[pl.ds(0, L)]], rows[b], gsem[b]).wait()

        def sissue(j, b):
            for k in range(L // 16):
                dst_row[b, pl.ds(k * 16, 16)] = (
                    dst_idx[pl.ds(j * L + k * 16, 16)])
            pltpu.async_copy(rows[b], acc.at[dst_row.at[b]], ssem[b],
                             add=True)

        def swait(b):
            pltpu.make_async_copy(
                rows[b], acc.at[dst_row.at[b]], ssem[b]).wait()

        def blk_body(bi, carry):
            ebase = (block_off + bi) * (IB * L)
            pltpu.sync_copy(edge_hbm.at[0, pl.ds(ebase, IB * L)], src_idx)
            pltpu.sync_copy(edge_hbm.at[1, pl.ds(ebase, IB * L)], dst_idx)
            for b in range(NB):
                gissue(b, b)

            def grp(g, c):
                j0 = g * NB
                for b in range(NB):
                    gwait(b)
                    sissue(j0 + b, b)
                for b in range(NB):
                    @pl.when(j0 + NB + b < IB)
                    def _(b=b):
                        swait(b)
                        gissue(j0 + NB + b, b)
                return c

            carry = lax.fori_loop(0, IB // NB, grp, carry)
            for b in range(NB):
                swait(b)
            return carry

        lax.fori_loop(0, n_blocks, blk_body, 0)
        plsc.subcore_barrier()

        @pl.when(cid == 0)
        def _():
            pltpu.sync_copy(acc.at[pl.ds(ibase, rows_per_tile)],
                            p0_hbm.at[pl.ds(ibase, rows_per_tile)])

        @pl.when(cid != 0)
        def _():
            pltpu.sync_copy(acc.at[pl.ds(ibase, rows_per_tile)],
                            p1_hbm.at[pl.ds(ibase, rows_per_tile)])

    return agg(x, edges, zslab)


def _mlp_bn_body(p0, p1, w1, b1, w2, b2, w3, b3, gamma, beta, out):
    n = out.shape[0]
    h = p0[pl.ds(0, n), :] + p1[pl.ds(0, n), :]
    a1 = jax.nn.sigmoid(
        jnp.dot(h, w1[...], preferred_element_type=jnp.float32) + b1[...])
    a2 = jax.nn.sigmoid(
        jnp.dot(a1, w2[...], preferred_element_type=jnp.float32) + b2[...])
    a3 = jnp.dot(a2, w3[...], preferred_element_type=jnp.float32) + b3[...]
    act = jnp.where(a3 >= 0.0, a3, 0.01 * a3)
    mean = jnp.sum(act, axis=0, keepdims=True) / n
    cent = act - mean
    var = jnp.sum(cent * cent, axis=0, keepdims=True) / n
    out[...] = cent * lax.rsqrt(var + 1e-5) * gamma[...] + beta[...]


def kernel(x, edge_index, W1, b1, W2, b2, W3, b3, gamma, beta):
    n, d = x.shape
    e = edge_index.shape[1]

    eb = IB * L
    n_blocks_total = -(-e // eb)
    q_blocks = -(-n_blocks_total // NW)
    e_pad = n_blocks_total * eb
    n_pad = (-(-(n + 1) // 128)) * 128

    if e_pad > e:
        iota = jnp.arange(e_pad - e, dtype=jnp.int32)
        edges = jnp.concatenate(
            [edge_index,
             jnp.stack([iota % n, n + iota % (n_pad - n)])], axis=1)
    else:
        edges = edge_index

    zslab = jnp.zeros((n_pad // NS, d), jnp.float32)

    p0, p1 = _sc_aggregate(n_pad, n_blocks_total, q_blocks, x, edges, zslab)

    h = pl.pallas_call(
        _mlp_bn_body,
        out_shape=jax.ShapeDtypeStruct((n, d), jnp.float32),
    )(p0, p1, W1, b1.reshape(1, -1), W2, b2.reshape(1, -1),
      W3, b3.reshape(1, -1), gamma.reshape(1, -1), beta.reshape(1, -1))

    return (h, edge_index)

# --- scband reference (transcript-rebuilt; emitter-appended) ---
"""Pipeline reference for scband-coll-conv-74019466379556 (READ-ONLY COPY).

The authoritative reference and input builder live on the scoring server;
editing this copy changes nothing except your own understanding.
"""

import jax, jax.numpy as jnp
import numpy as np

N, E, D_IN, D_OUT = 10000, 320000, 128, 128
H1, H2 = 32, 64


def _glorot(key, shape):
    fan_in, fan_out = shape[0], shape[1]
    scale = jnp.sqrt(2.0 / (fan_in + fan_out))
    return jax.random.normal(key, shape, dtype=jnp.float32) * scale


def setup_inputs(seed: int = 0) -> dict:
    key = jax.random.key(seed)
    ks = jax.random.split(key, 10)
    x = jax.random.normal(ks[0], (N, D_IN), dtype=jnp.float32)
    edge_index = jax.random.randint(ks[1], (2, E), 0, N, dtype=jnp.int32)
    W1 = _glorot(ks[2], (D_IN, H1)); b1 = jnp.zeros((H1,), jnp.float32)
    W2 = _glorot(ks[3], (H1, H2)); b2 = jnp.zeros((H2,), jnp.float32)
    W3 = _glorot(ks[4], (H2, D_OUT)); b3 = jnp.zeros((D_OUT,), jnp.float32)
    gamma = jnp.ones((D_OUT,), jnp.float32)
    beta = jnp.zeros((D_OUT,), jnp.float32)
    return {"x": x, "edge_index": edge_index, "W1": W1, "b1": b1, "W2": W2, "b2": b2, "W3": W3, "b3": b3, "gamma": gamma, "beta": beta}


def reference(x, edge_index, W1, b1, W2, b2, W3, b3, gamma, beta):
    # GINConv: h = MLP((1 + eps) * x + sum_{j in N(i)} x_j), eps = 0
    src = edge_index[0]
    dst = edge_index[1]
    msgs = jnp.take(x, src, axis=0)                      # gather (SparseCore)
    agg = jax.ops.segment_sum(msgs, dst, num_segments=N) # scatter-add (SparseCore)
    h = x + agg
    # MLP with Sigmoid activations (batch_norm=False inside MLP)
    h = jax.nn.sigmoid(h @ W1 + b1)
    h = jax.nn.sigmoid(h @ W2 + b2)
    h = h @ W3 + b3
    # final activation: LeakyReLU (negative_slope = 0.01)
    h = jnp.where(h >= 0.0, h, 0.01 * h)
    # BatchNorm1d (training-mode batch statistics, eps = 1e-5)
    mean = jnp.mean(h, axis=0)
    var = jnp.var(h, axis=0)
    h = (h - mean) / jnp.sqrt(var + 1e-5) * gamma + beta
    return (h, edge_index)

if __name__ == "__main__":
    import jax
    _d = setup_inputs()
    print(jax.jit(kernel)(*tuple(_d.values())))

</pallas_src>

<mosaic_0001>
#map = affine_map<(d0, d1) -> (0, 0)>
module attributes {stable_mosaic.version = 14 : i64} {
  func.func @agg(%arg0: i32, %arg1: i32, %arg2: memref<10000x128xf32, #tpu.memory_space<hbm>>, %arg3: memref<2x322560xi32, #tpu.memory_space<hbm>>, %arg4: memref<632x128xf32, #tpu.memory_space<hbm>>, %arg5: memref<10112x128xf32, #tpu.memory_space<hbm>>, %arg6: memref<10112x128xf32, #tpu.memory_space<hbm>>, %arg7: memref<10112x128xf32, #tpu.memory_space<vmem_shared>>, %arg8: memref<5120xi32, #tpu.memory_space<vmem>>, %arg9: memref<5120xi32, #tpu.memory_space<vmem>>, %arg10: memref<2x128xi32, #tpu.memory_space<vmem>>, %arg11: memref<128x128xf32, #tpu.memory_space<vmem>>, %arg12: memref<128x128xf32, #tpu.memory_space<vmem>>, %arg13: memref<!tpu.dma_semaphore, #tpu.memory_space<semaphore_mem>>, %arg14: memref<!tpu.dma_semaphore, #tpu.memory_space<semaphore_mem>>, %arg15: memref<!tpu.dma_semaphore, #tpu.memory_space<semaphore_mem>>, %arg16: memref<!tpu.dma_semaphore, #tpu.memory_space<semaphore_mem>>) attributes {dimension_semantics = [#tpu.dimension_semantics<core_parallel>, #tpu.dimension_semantics<subcore_parallel>], iteration_bounds = array<i64: 2, 16>, scalar_prefetch = 0 : i64, scratch_operands = 10 : i64, tpu.core_type = #tpu.core_type<sc_vector_subcore>, window_params = [{transform_indices = #map}, {transform_indices = #map}, {transform_indices = #map}, {transform_indices = #map}, {transform_indices = #map}]} {
    %mul3A = arith.constant 2 : i32
    %mul3A_0 = arith.muli %arg1, %mul3A : i32
    %add3A = arith.addi %mul3A_0, %arg0 : i32
    %mul3A_1 = arith.constant 2 : i32
    %mul3A_2 = arith.muli %add3A, %mul3A_1 : i32
    %sub3A = arith.constant 63 : i32
    %sub3A_3 = arith.subi %sub3A, %mul3A_2 : i32
    %max3A = arith.constant 0 : i32
    %max3A_4 = arith.maxsi %max3A, %sub3A_3 : i32
    %min3A = arith.constant 2 : i32
    %min3A_5 = arith.minsi %min3A, %max3A_4 : i32
    %mul3A_6 = arith.constant 632 : i32
    %mul3A_7 = arith.muli %arg1, %mul3A_6 : i32
    %eq3A = arith.constant 0 : i32
    %eq3A_8 = arith.cmpi eq, %arg0, %eq3A : i32
    %add3A_9 = arith.constant 632 : i32
    %add3A_10 = arith.addi %mul3A_7, %add3A_9 : i32
    %le3A = arith.constant 9480 : i32
    %le3A_11 = arith.cmpi sle, %add3A_10, %le3A : i32
    %and3A = arith.andi %eq3A_8, %le3A_11 : i1
    %convert_element_type3A = arith.extui %and3A : i1 to i32
    %cond3A = arith.constant 0 : i32
    %cond3A_12 = arith.cmpi ne, %convert_element_type3A, %cond3A : i32
    scf.if %cond3A_12 {
      "tpu.region"() ({
        %run_scoped3A = tpu.sem_alloc : memref<!tpu.dma_semaphore, #tpu.memory_space<semaphore_mem>>
        %dma_start3A = arith.constant 0 : i32
        %dma_start3A_46 = tpu.memref_slice %arg7[%mul3A_7, %dma_start3A] : memref<10112x128xf32, #tpu.memory_space<vmem_shared>> -> memref<632x128xf32, #tpu.memory_space<vmem_shared>>
        %dma_start3A_47 = arith.constant 0 : i32
        %dma_start3A_48 = tpu.memref_slice %arg2[%mul3A_7, %dma_start3A_47] : memref<10000x128xf32, #tpu.memory_space<hbm>> -> memref<632x128xf32, #tpu.memory_space<hbm>>
        tpu.enqueue_dma source(%dma_start3A_48 : memref<632x128xf32, #tpu.memory_space<hbm>>) target(%dma_start3A_46 : memref<632x128xf32, #tpu.memory_space<vmem_shared>>) target_semaphore(%run_scoped3A : memref<!tpu.dma_semaphore, #tpu.memory_space<semaphore_mem>>)
        %dma_wait3A = arith.constant 0 : i32
        %dma_wait3A_49 = tpu.memref_slice %arg7[%mul3A_7, %dma_wait3A] : memref<10112x128xf32, #tpu.memory_space<vmem_shared>> -> memref<632x128xf32, #tpu.memory_space<vmem_shared>>
        %dma_wait3A_50 = arith.constant 0 : i32
        %dma_wait3A_51 = tpu.memref_slice %arg2[%mul3A_7, %dma_wait3A_50] : memref<10000x128xf32, #tpu.memory_space<hbm>> -> memref<632x128xf32, #tpu.memory_space<hbm>>
        tpu.wait_dma2 semaphore(%run_scoped3A : memref<!tpu.dma_semaphore, #tpu.memory_space<semaphore_mem>>) src(%dma_wait3A_51 : memref<632x128xf32, #tpu.memory_space<hbm>>) dst(%dma_wait3A_49 : memref<632x128xf32, #tpu.memory_space<vmem_shared>>)
        tpu.yield
      }) : () -> ()
    } else {
    }
    %eq3A_13 = arith.constant 0 : i32
    %eq3A_14 = arith.cmpi eq, %arg0, %eq3A_13 : i32
    %add3A_15 = arith.constant 632 : i32
    %add3A_16 = arith.addi %mul3A_7, %add3A_15 : i32
    %gt3A = arith.constant 9480 : i32
    %gt3A_17 = arith.cmpi sgt, %add3A_16, %gt3A : i32
    %and3A_18 = arith.andi %eq3A_14, %gt3A_17 : i1
    %convert_element_type3A_19 = arith.extui %and3A_18 : i1 to i32
    %cond3A_20 = arith.constant 0 : i32
    %cond3A_21 = arith.cmpi ne, %convert_element_type3A_19, %cond3A_20 : i32
    scf.if %cond3A_21 {
      "tpu.region"() ({
        %run_scoped3A = tpu.sem_alloc : memref<!tpu.dma_semaphore, #tpu.memory_space<semaphore_mem>>
        %dma_start3A = arith.constant 9480 : i32
        %dma_start3A_46 = arith.constant 0 : i32
        %dma_start3A_47 = tpu.memref_slice %arg7[%dma_start3A, %dma_start3A_46] : memref<10112x128xf32, #tpu.memory_space<vmem_shared>> -> memref<520x128xf32, #tpu.memory_space<vmem_shared>>
        %dma_start3A_48 = arith.constant 9480 : i32
        %dma_start3A_49 = arith.constant 0 : i32
        %dma_start3A_50 = tpu.memref_slice %arg2[%dma_start3A_48, %dma_start3A_49] : memref<10000x128xf32, #tpu.memory_space<hbm>> -> memref<520x128xf32, #tpu.memory_space<hbm>>
        tpu.enqueue_dma source(%dma_start3A_50 : memref<520x128xf32, #tpu.memory_space<hbm>>) target(%dma_start3A_47 : memref<520x128xf32, #tpu.memory_space<vmem_shared>>) target_semaphore(%run_scoped3A : memref<!tpu.dma_semaphore, #tpu.memory_space<semaphore_mem>>)
        %dma_wait3A = arith.constant 9480 : i32
        %dma_wait3A_51 = arith.constant 0 : i32
        %dma_wait3A_52 = tpu.memref_slice %arg7[%dma_wait3A, %dma_wait3A_51] : memref<10112x128xf32, #tpu.memory_space<vmem_shared>> -> memref<520x128xf32, #tpu.memory_space<vmem_shared>>
        %dma_wait3A_53 = arith.constant 9480 : i32
        %dma_wait3A_54 = arith.constant 0 : i32
        %dma_wait3A_55 = tpu.memref_slice %arg2[%dma_wait3A_53, %dma_wait3A_54] : memref<10000x128xf32, #tpu.memory_space<hbm>> -> memref<520x128xf32, #tpu.memory_space<hbm>>
        tpu.wait_dma2 semaphore(%run_scoped3A : memref<!tpu.dma_semaphore, #tpu.memory_space<semaphore_mem>>) src(%dma_wait3A_55 : memref<520x128xf32, #tpu.memory_space<hbm>>) dst(%dma_wait3A_52 : memref<520x128xf32, #tpu.memory_space<vmem_shared>>)
        tpu.yield
      }) : () -> ()
      "tpu.region"() ({
        %run_scoped3A = tpu.sem_alloc : memref<!tpu.dma_semaphore, #tpu.memory_space<semaphore_mem>>
        %dma_start3A = arith.constant 10000 : i32
        %dma_start3A_46 = arith.constant 0 : i32
        %dma_start3A_47 = tpu.memref_slice %arg7[%dma_start3A, %dma_start3A_46] : memref<10112x128xf32, #tpu.memory_space<vmem_shared>> -> memref<112x128xf32, #tpu.memory_space<vmem_shared>>
        %dma_start3A_48 = arith.constant 0 : i32
        %dma_start3A_49 = arith.constant 0 : i32
        %dma_start3A_50 = tpu.memref_slice %arg4[%dma_start3A_48, %dma_start3A_49] : memref<632x128xf32, #tpu.memory_space<hbm>> -> memref<112x128xf32, #tpu.memory_space<hbm>>
        tpu.enqueue_dma source(%dma_start3A_50 : memref<112x128xf32, #tpu.memory_space<hbm>>) target(%dma_start3A_47 : memref<112x128xf32, #tpu.memory_space<vmem_shared>>) target_semaphore(%run_scoped3A : memref<!tpu.dma_semaphore, #tpu.memory_space<semaphore_mem>>)
        %dma_wait3A = arith.constant 10000 : i32
        %dma_wait3A_51 = arith.constant 0 : i32
        %dma_wait3A_52 = tpu.memref_slice %arg7[%dma_wait3A, %dma_wait3A_51] : memref<10112x128xf32, #tpu.memory_space<vmem_shared>> -> memref<112x128xf32, #tpu.memory_space<vmem_shared>>
        %dma_wait3A_53 = arith.constant 0 : i32
        %dma_wait3A_54 = arith.constant 0 : i32
        %dma_wait3A_55 = tpu.memref_slice %arg4[%dma_wait3A_53, %dma_wait3A_54] : memref<632x128xf32, #tpu.memory_space<hbm>> -> memref<112x128xf32, #tpu.memory_space<hbm>>
        tpu.wait_dma2 semaphore(%run_scoped3A : memref<!tpu.dma_semaphore, #tpu.memory_space<semaphore_mem>>) src(%dma_wait3A_55 : memref<112x128xf32, #tpu.memory_space<hbm>>) dst(%dma_wait3A_52 : memref<112x128xf32, #tpu.memory_space<vmem_shared>>)
        tpu.yield
      }) : () -> ()
    } else {
    }
    %ne3A = arith.constant 0 : i32
    %ne3A_22 = arith.cmpi ne, %arg0, %ne3A : i32
    %convert_element_type3A_23 = arith.extui %ne3A_22 : i1 to i32
    %cond3A_24 = arith.constant 0 : i32
    %cond3A_25 = arith.cmpi ne, %convert_element_type3A_23, %cond3A_24 : i32
    scf.if %cond3A_25 {
      "tpu.region"() ({
        %run_scoped3A = tpu.sem_alloc : memref<!tpu.dma_semaphore, #tpu.memory_space<semaphore_mem>>
        %dma_start3A = arith.constant 0 : i32
        %dma_start3A_46 = tpu.memref_slice %arg7[%mul3A_7, %dma_start3A] : memref<10112x128xf32, #tpu.memory_space<vmem_shared>> -> memref<632x128xf32, #tpu.memory_space<vmem_shared>>
        tpu.enqueue_dma source(%arg4 : memref<632x128xf32, #tpu.memory_space<hbm>>) target(%dma_start3A_46 : memref<632x128xf32, #tpu.memory_space<vmem_shared>>) target_semaphore(%run_scoped3A : memref<!tpu.dma_semaphore, #tpu.memory_space<semaphore_mem>>)
        %dma_wait3A = arith.constant 0 : i32
        %dma_wait3A_47 = tpu.memref_slice %arg7[%mul3A_7, %dma_wait3A] : memref<10112x128xf32, #tpu.memory_space<vmem_shared>> -> memref<632x128xf32, #tpu.memory_space<vmem_shared>>
        tpu.wait_dma2 semaphore(%run_scoped3A : memref<!tpu.dma_semaphore, #tpu.memory_space<semaphore_mem>>) src(%arg4 : memref<632x128xf32, #tpu.memory_space<hbm>>) dst(%dma_wait3A_47 : memref<632x128xf32, #tpu.memory_space<vmem_shared>>)
        tpu.yield
      }) : () -> ()
    } else {
    }
    %barrier3A = arith.constant 0 : index
    tpu.barrier barrier_id(%barrier3A)
    %while3A = arith.constant 0 : i32
    %while3A_26 = arith.constant 0 : i32
    %while3A_27 = arith.subi %min3A_5, %while3A_26 : i32
    %while3A_28 = arith.addi %while3A_26, %while3A_27 : i32
    %while3A_29 = arith.constant 1 : i32
    %while3A_30 = arith.divsi %while3A_27, %while3A_29 : i32
    %while3A_31 = arith.muli %while3A_30, %while3A_29 : i32
    %while3A_32 = arith.addi %while3A_26, %while3A_31 : i32
    %while3A_33 = arith.constant 1 : i32
    scf.for %while3A_46 = %while3A_26 to %while3A_32 step %while3A_33  : i32 {
      %add3A_47 = arith.addi %mul3A_2, %while3A_46 : i32
      %mul3A_48 = arith.constant 5120 : i32
      %mul3A_49 = arith.muli %add3A_47, %mul3A_48 : i32
      %run_scoped3A = arith.constant 0 : i32
      "tpu.region"() ({
        %run_scoped3A_77 = tpu.sem_alloc : memref<!tpu.dma_semaphore, #tpu.memory_space<semaphore_mem>>
        %dma_start3A_78 = tpu.memref_slice %arg3[%run_scoped3A, %mul3A_49] : memref<2x322560xi32, #tpu.memory_space<hbm>> -> memref<1x5120xi32, #tpu.memory_space<hbm>>
        %dma_start3A_79 = tpu.memref_squeeze %dma_start3A_78 : memref<1x5120xi32, #tpu.memory_space<hbm>> -> memref<5120xi32, #tpu.memory_space<hbm>>
        %dma_start3A_80 = tpu.memref_slice %arg3[%run_scoped3A, %mul3A_49] : memref<2x322560xi32, #tpu.memory_space<hbm>> -> memref<1x5120xi32, #tpu.memory_space<hbm>>
        %dma_start3A_81 = tpu.memref_squeeze %dma_start3A_80 : memref<1x5120xi32, #tpu.memory_space<hbm>> -> memref<5120xi32, #tpu.memory_space<hbm>>
        tpu.enqueue_dma source(%dma_start3A_81 : memref<5120xi32, #tpu.memory_space<hbm>>) target(%arg8 : memref<5120xi32, #tpu.memory_space<vmem>>) target_semaphore(%run_scoped3A_77 : memref<!tpu.dma_semaphore, #tpu.memory_space<semaphore_mem>>)
        %dma_wait3A_82 = tpu.memref_slice %arg3[%run_scoped3A, %mul3A_49] : memref<2x322560xi32, #tpu.memory_space<hbm>> -> memref<1x5120xi32, #tpu.memory_space<hbm>>
        %dma_wait3A_83 = tpu.memref_squeeze %dma_wait3A_82 : memref<1x5120xi32, #tpu.memory_space<hbm>> -> memref<5120xi32, #tpu.memory_space<hbm>>
        %dma_wait3A_84 = tpu.memref_slice %arg3[%run_scoped3A, %mul3A_49] : memref<2x322560xi32, #tpu.memory_space<hbm>> -> memref<1x5120xi32, #tpu.memory_space<hbm>>
        %dma_wait3A_85 = tpu.memref_squeeze %dma_wait3A_84 : memref<1x5120xi32, #tpu.memory_space<hbm>> -> memref<5120xi32, #tpu.memory_space<hbm>>
        tpu.wait_dma2 semaphore(%run_scoped3A_77 : memref<!tpu.dma_semaphore, #tpu.memory_space<semaphore_mem>>) src(%dma_wait3A_85 : memref<5120xi32, #tpu.memory_space<hbm>>) dst(%arg8 : memref<5120xi32, #tpu.memory_space<vmem>>)
        tpu.yield
      }) : () -> ()
      %run_scoped3A_50 = arith.constant 1 : i32
      "tpu.region"() ({
        %run_scoped3A_77 = tpu.sem_alloc : memref<!tpu.dma_semaphore, #tpu.memory_space<semaphore_mem>>
        %dma_start3A_78 = tpu.memref_slice %arg3[%run_scoped3A_50, %mul3A_49] : memref<2x322560xi32, #tpu.memory_space<hbm>> -> memref<1x5120xi32, #tpu.memory_space<hbm>>
        %dma_start3A_79 = tpu.memref_squeeze %dma_start3A_78 : memref<1x5120xi32, #tpu.memory_space<hbm>> -> memref<5120xi32, #tpu.memory_space<hbm>>
        %dma_start3A_80 = tpu.memref_slice %arg3[%run_scoped3A_50, %mul3A_49] : memref<2x322560xi32, #tpu.memory_space<hbm>> -> memref<1x5120xi32, #tpu.memory_space<hbm>>
        %dma_start3A_81 = tpu.memref_squeeze %dma_start3A_80 : memref<1x5120xi32, #tpu.memory_space<hbm>> -> memref<5120xi32, #tpu.memory_space<hbm>>
        tpu.enqueue_dma source(%dma_start3A_81 : memref<5120xi32, #tpu.memory_space<hbm>>) target(%arg9 : memref<5120xi32, #tpu.memory_space<vmem>>) target_semaphore(%run_scoped3A_77 : memref<!tpu.dma_semaphore, #tpu.memory_space<semaphore_mem>>)
        %dma_wait3A_82 = tpu.memref_slice %arg3[%run_scoped3A_50, %mul3A_49] : memref<2x322560xi32, #tpu.memory_space<hbm>> -> memref<1x5120xi32, #tpu.memory_space<hbm>>
        %dma_wait3A_83 = tpu.memref_squeeze %dma_wait3A_82 : memref<1x5120xi32, #tpu.memory_space<hbm>> -> memref<5120xi32, #tpu.memory_space<hbm>>
        %dma_wait3A_84 = tpu.memref_slice %arg3[%run_scoped3A_50, %mul3A_49] : memref<2x322560xi32, #tpu.memory_space<hbm>> -> memref<1x5120xi32, #tpu.memory_space<hbm>>
        %dma_wait3A_85 = tpu.memref_squeeze %dma_wait3A_84 : memref<1x5120xi32, #tpu.memory_space<hbm>> -> memref<5120xi32, #tpu.memory_space<hbm>>
        tpu.wait_dma2 semaphore(%run_scoped3A_77 : memref<!tpu.dma_semaphore, #tpu.memory_space<semaphore_mem>>) src(%dma_wait3A_85 : memref<5120xi32, #tpu.memory_space<hbm>>) dst(%arg9 : memref<5120xi32, #tpu.memory_space<vmem>>)
        tpu.yield
      }) : () -> ()
      %dma_start3A = arith.constant 0 : i32
      %dma_start3A_51 = tpu.memref_slice %arg8[%dma_start3A] : memref<5120xi32, #tpu.memory_space<vmem>> -> memref<128xi32, #tpu.memory_space<vmem>>
      %dma_start3A_52 = arith.constant 0 : i32
      %dma_start3A_53 = arith.constant 0 : i32
      %dma_start3A_54 = tpu.memref_slice %arg2[%dma_start3A_52, %dma_start3A_53] : memref<10000x128xf32, #tpu.memory_space<hbm>> -> memref<10000x128xf32, #tpu.memory_space<hbm>>
      tpu.enqueue_indirect_dma source(%dma_start3A_54 : memref<10000x128xf32, #tpu.memory_space<hbm>>) target(%arg11 : memref<128x128xf32, #tpu.memory_space<vmem>>) offsets(%dma_start3A_51 : memref<128xi32, #tpu.memory_space<vmem>>) semaphore(%arg13 : memref<!tpu.dma_semaphore, #tpu.memory_space<semaphore_mem>>)
      %dma_start3A_55 = arith.constant 128 : i32
      %dma_start3A_56 = tpu.memref_slice %arg8[%dma_start3A_55] : memref<5120xi32, #tpu.memory_space<vmem>> -> memref<128xi32, #tpu.memory_space<vmem>>
      %dma_start3A_57 = arith.constant 0 : i32
      %dma_start3A_58 = arith.constant 0 : i32
      %dma_start3A_59 = tpu.memref_slice %arg2[%dma_start3A_57, %dma_start3A_58] : memref<10000x128xf32, #tpu.memory_space<hbm>> -> memref<10000x128xf32, #tpu.memory_space<hbm>>
      tpu.enqueue_indirect_dma source(%dma_start3A_59 : memref<10000x128xf32, #tpu.memory_space<hbm>>) target(%arg12 : memref<128x128xf32, #tpu.memory_space<vmem>>) offsets(%dma_start3A_56 : memref<128xi32, #tpu.memory_space<vmem>>) semaphore(%arg14 : memref<!tpu.dma_semaphore, #tpu.memory_space<semaphore_mem>>)
      %scan3A = arith.constant 0 : i32
      %scan3A_60 = arith.constant 20 : i32
      %scan3A_61 = arith.addi %scan3A, %scan3A_60 : i32
      %scan3A_62 = arith.constant 1 : i32
      scf.for %scan3A_77 = %scan3A to %scan3A_61 step %scan3A_62  : i32 {
        %mul3A_78 = arith.constant 2 : i32
        %mul3A_79 = arith.muli %scan3A_77, %mul3A_78 : i32
        %dma_wait3A_80 = arith.constant 0 : i32
        %dma_wait3A_81 = tpu.memref_slice %arg8[%dma_wait3A_80] : memref<5120xi32, #tpu.memory_space<vmem>> -> memref<128xi32, #tpu.memory_space<vmem>>
        %dma_wait3A_82 = arith.constant 0 : i32
        %dma_wait3A_83 = arith.constant 0 : i32
        %dma_wait3A_84 = tpu.memref_slice %arg2[%dma_wait3A_82, %dma_wait3A_83] : memref<10000x128xf32, #tpu.memory_space<hbm>> -> memref<10000x128xf32, #tpu.memory_space<hbm>>
        tpu.wait_indirect_dma semaphore(%arg13 : memref<!tpu.dma_semaphore, #tpu.memory_space<semaphore_mem>>) src(%dma_wait3A_84 : memref<10000x128xf32, #tpu.memory_space<hbm>>) dst(%arg11 : memref<128x128xf32, #tpu.memory_space<vmem>>)
        %add3A_85 = arith.constant 0 : i32
        %add3A_86 = arith.addi %mul3A_79, %add3A_85 : i32
        %mul3A_87 = arith.constant 128 : i32
        %mul3A_88 = arith.muli %add3A_86, %mul3A_87 : i32
        %add3A_89 = arith.constant 0 : i32
        %add3A_90 = arith.addi %mul3A_88, %add3A_89 : i32
        %get3A = arith.index_cast %add3A_90 : i32 to index
        %get3A_91 = tpu.vector_load %arg9[%get3A] {strides = array<i32>} : memref<5120xi32, #tpu.memory_space<vmem>>, vector<16xi32>,
        %get3A_92 = vector.shape_cast %get3A_91 : vector<16xi32> to vector<16xi32>
        %swap3A = arith.constant 0 : i32
        %swap3A_93 = arith.index_cast %swap3A : i32 to index
        %swap3A_94 = arith.constant 0 : index
        %swap3A_95 = tpu.vector_load %arg10[%swap3A_93, %swap3A_94] {strides = array<i32>} : memref<2x128xi32, #tpu.memory_space<vmem>>, vector<1x16xi32>,
        %swap3A_96 = vector.shape_cast %swap3A_95 : vector<1x16xi32> to vector<16xi32>
        %swap3A_97 = vector.shape_cast %get3A_92 : vector<16xi32> to vector<1x16xi32>
        tpu.vector_store %arg10[%swap3A_93, %swap3A_94], %swap3A_97 {strides = array<i32>} : memref<2x128xi32, #tpu.memory_space<vmem>>, vector<1x16xi32>,
        %mul3A_98 = arith.constant 128 : i32
        %mul3A_99 = arith.muli %add3A_86, %mul3A_98 : i32
        %add3A_100 = arith.constant 16 : i32
        %add3A_101 = arith.addi %mul3A_99, %add3A_100 : i32
        %get3A_102 = arith.index_cast %add3A_101 : i32 to index
        %get3A_103 = tpu.vector_load %arg9[%get3A_102] {strides = array<i32>} : memref<5120xi32, #tpu.memory_space<vmem>>, vector<16xi32>,
        %get3A_104 = vector.shape_cast %get3A_103 : vector<16xi32> to vector<16xi32>
        %swap3A_105 = arith.constant 0 : i32
        %swap3A_106 = arith.index_cast %swap3A_105 : i32 to index
        %swap3A_107 = arith.constant 16 : index
        %swap3A_108 = tpu.vector_load %arg10[%swap3A_106, %swap3A_107] {strides = array<i32>} : memref<2x128xi32, #tpu.memory_space<vmem>>, vector<1x16xi32>,
        %swap3A_109 = vector.shape_cast %swap3A_108 : vector<1x16xi32> to vector<16xi32>
        %swap3A_110 = vector.shape_cast %get3A_104 : vector<16xi32> to vector<1x16xi32>
        tpu.vector_store %arg10[%swap3A_106, %swap3A_107], %swap3A_110 {strides = array<i32>} : memref<2x128xi32, #tpu.memory_space<vmem>>, vector<1x16xi32>,
        %mul3A_111 = arith.constant 128 : i32
        %mul3A_112 = arith.muli %add3A_86, %mul3A_111 : i32
        %add3A_113 = arith.constant 32 : i32
        %add3A_114 = arith.addi %mul3A_112, %add3A_113 : i32
        %get3A_115 = arith.index_cast %add3A_114 : i32 to index
        %get3A_116 = tpu.vector_load %arg9[%get3A_115] {strides = array<i32>} : memref<5120xi32, #tpu.memory_space<vmem>>, vector<16xi32>,
        %get3A_117 = vector.shape_cast %get3A_116 : vector<16xi32> to vector<16xi32>
        %swap3A_118 = arith.constant 0 : i32
        %swap3A_119 = arith.index_cast %swap3A_118 : i32 to index
        %swap3A_120 = arith.constant 32 : index
        %swap3A_121 = tpu.vector_load %arg10[%swap3A_119, %swap3A_120] {strides = array<i32>} : memref<2x128xi32, #tpu.memory_space<vmem>>, vector<1x16xi32>,
        %swap3A_122 = vector.shape_cast %swap3A_121 : vector<1x16xi32> to vector<16xi32>
        %swap3A_123 = vector.shape_cast %get3A_117 : vector<16xi32> to vector<1x16xi32>
        tpu.vector_store %arg10[%swap3A_119, %swap3A_120], %swap3A_123 {strides = array<i32>} : memref<2x128xi32, #tpu.memory_space<vmem>>, vector<1x16xi32>,
        %mul3A_124 = arith.constant 128 : i32
        %mul3A_125 = arith.muli %add3A_86, %mul3A_124 : i32
        %add3A_126 = arith.constant 48 : i32
        %add3A_127 = arith.addi %mul3A_125, %add3A_126 : i32
        %get3A_128 = arith.index_cast %add3A_127 : i32 to index
        %get3A_129 = tpu.vector_load %arg9[%get3A_128] {strides = array<i32>} : memref<5120xi32, #tpu.memory_space<vmem>>, vector<16xi32>,
        %get3A_130 = vector.shape_cast %get3A_129 : vector<16xi32> to vector<16xi32>
        %swap3A_131 = arith.constant 0 : i32
        %swap3A_132 = arith.index_cast %swap3A_131 : i32 to index
        %swap3A_133 = arith.constant 48 : index
        %swap3A_134 = tpu.vector_load %arg10[%swap3A_132, %swap3A_133] {strides = array<i32>} : memref<2x128xi32, #tpu.memory_space<vmem>>, vector<1x16xi32>,
        %swap3A_135 = vector.shape_cast %swap3A_134 : vector<1x16xi32> to vector<16xi32>
        %swap3A_136 = vector.shape_cast %get3A_130 : vector<16xi32> to vector<1x16xi32>
        tpu.vector_store %arg10[%swap3A_132, %swap3A_133], %swap3A_136 {strides = array<i32>} : memref<2x128xi32, #tpu.memory_space<vmem>>, vector<1x16xi32>,
        %mul3A_137 = arith.constant 128 : i32
        %mul3A_138 = arith.muli %add3A_86, %mul3A_137 : i32
        %add3A_139 = arith.constant 64 : i32
        %add3A_140 = arith.addi %mul3A_138, %add3A_139 : i32
        %get3A_141 = arith.index_cast %add3A_140 : i32 to index
        %get3A_142 = tpu.vector_load %arg9[%get3A_141] {strides = array<i32>} : memref<5120xi32, #tpu.memory_space<vmem>>, vector<16xi32>,
        %get3A_143 = vector.shape_cast %get3A_142 : vector<16xi32> to vector<16xi32>
        %swap3A_144 = arith.constant 0 : i32
        %swap3A_145 = arith.index_cast %swap3A_144 : i32 to index
        %swap3A_146 = arith.constant 64 : index
        %swap3A_147 = tpu.vector_load %arg10[%swap3A_145, %swap3A_146] {strides = array<i32>} : memref<2x128xi32, #tpu.memory_space<vmem>>, vector<1x16xi32>,
        %swap3A_148 = vector.shape_cast %swap3A_147 : vector<1x16xi32> to vector<16xi32>
        %swap3A_149 = vector.shape_cast %get3A_143 : vector<16xi32> to vector<1x16xi32>
        tpu.vector_store %arg10[%swap3A_145, %swap3A_146], %swap3A_149 {strides = array<i32>} : memref<2x128xi32, #tpu.memory_space<vmem>>, vector<1x16xi32>,
        %mul3A_150 = arith.constant 128 : i32
        %mul3A_151 = arith.muli %add3A_86, %mul3A_150 : i32
        %add3A_152 = arith.constant 80 : i32
        %add3A_153 = arith.addi %mul3A_151, %add3A_152 : i32
        %get3A_154 = arith.index_cast %add3A_153 : i32 to index
        %get3A_155 = tpu.vector_load %arg9[%get3A_154] {strides = array<i32>} : memref<5120xi32, #tpu.memory_space<vmem>>, vector<16xi32>,
        %get3A_156 = vector.shape_cast %get3A_155 : vector<16xi32> to vector<16xi32>
        %swap3A_157 = arith.constant 0 : i32
        %swap3A_158 = arith.index_cast %swap3A_157 : i32 to index
        %swap3A_159 = arith.constant 80 : index
        %swap3A_160 = tpu.vector_load %arg10[%swap3A_158, %swap3A_159] {strides = array<i32>} : memref<2x128xi32, #tpu.memory_space<vmem>>, vector<1x16xi32>,
        %swap3A_161 = vector.shape_cast %swap3A_160 : vector<1x16xi32> to vector<16xi32>
        %swap3A_162 = vector.shape_cast %get3A_156 : vector<16xi32> to vector<1x16xi32>
        tpu.vector_store %arg10[%swap3A_158, %swap3A_159], %swap3A_162 {strides = array<i32>} : memref<2x128xi32, #tpu.memory_space<vmem>>, vector<1x16xi32>,
        %mul3A_163 = arith.constant 128 : i32
        %mul3A_164 = arith.muli %add3A_86, %mul3A_163 : i32
        %add3A_165 = arith.constant 96 : i32
        %add3A_166 = arith.addi %mul3A_164, %add3A_165 : i32
        %get3A_167 = arith.index_cast %add3A_166 : i32 to index
        %get3A_168 = tpu.vector_load %arg9[%get3A_167] {strides = array<i32>} : memref<5120xi32, #tpu.memory_space<vmem>>, vector<16xi32>,
        %get3A_169 = vector.shape_cast %get3A_168 : vector<16xi32> to vector<16xi32>
        %swap3A_170 = arith.constant 0 : i32
        %swap3A_171 = arith.index_cast %swap3A_170 : i32 to index
        %swap3A_172 = arith.constant 96 : index
        %swap3A_173 = tpu.vector_load %arg10[%swap3A_171, %swap3A_172] {strides = array<i32>} : memref<2x128xi32, #tpu.memory_space<vmem>>, vector<1x16xi32>,
        %swap3A_174 = vector.shape_cast %swap3A_173 : vector<1x16xi32> to vector<16xi32>
        %swap3A_175 = vector.shape_cast %get3A_169 : vector<16xi32> to vector<1x16xi32>
        tpu.vector_store %arg10[%swap3A_171, %swap3A_172], %swap3A_175 {strides = array<i32>} : memref<2x128xi32, #tpu.memory_space<vmem>>, vector<1x16xi32>,
        %mul3A_176 = arith.constant 128 : i32
        %mul3A_177 = arith.muli %add3A_86, %mul3A_176 : i32
        %add3A_178 = arith.constant 112 : i32
        %add3A_179 = arith.addi %mul3A_177, %add3A_178 : i32
        %get3A_180 = arith.index_cast %add3A_179 : i32 to index
        %get3A_181 = tpu.vector_load %arg9[%get3A_180] {strides = array<i32>} : memref<5120xi32, #tpu.memory_space<vmem>>, vector<16xi32>,
        %get3A_182 = vector.shape_cast %get3A_181 : vector<16xi32> to vector<16xi32>
        %swap3A_183 = arith.constant 0 : i32
        %swap3A_184 = arith.index_cast %swap3A_183 : i32 to index
        %swap3A_185 = arith.constant 112 : index
        %swap3A_186 = tpu.vector_load %arg10[%swap3A_184, %swap3A_185] {strides = array<i32>} : memref<2x128xi32, #tpu.memory_space<vmem>>, vector<1x16xi32>,
        %swap3A_187 = vector.shape_cast %swap3A_186 : vector<1x16xi32> to vector<16xi32>
        %swap3A_188 = vector.shape_cast %get3A_182 : vector<16xi32> to vector<1x16xi32>
        tpu.vector_store %arg10[%swap3A_184, %swap3A_185], %swap3A_188 {strides = array<i32>} : memref<2x128xi32, #tpu.memory_space<vmem>>, vector<1x16xi32>,
        %dma_start3A_189 = arith.constant 0 : i32
        %dma_start3A_190 = arith.constant 0 : i32
        %dma_start3A_191 = tpu.memref_slice %arg10[%dma_start3A_189, %dma_start3A_190] : memref<2x128xi32, #tpu.memory_space<vmem>> -> memref<1x128xi32, #tpu.memory_space<vmem>>
        %dma_start3A_192 = tpu.memref_squeeze %dma_start3A_191 : memref<1x128xi32, #tpu.memory_space<vmem>> -> memref<128xi32, #tpu.memory_space<vmem>>
        %dma_start3A_193 = arith.constant 0 : i32
        %dma_start3A_194 = arith.constant 0 : i32
        %dma_start3A_195 = tpu.memref_slice %arg7[%dma_start3A_193, %dma_start3A_194] : memref<10112x128xf32, #tpu.memory_space<vmem_shared>> -> memref<10112x128xf32, #tpu.memory_space<vmem_shared>>
        tpu.enqueue_indirect_dma source(%arg11 : memref<128x128xf32, #tpu.memory_space<vmem>>) target(%dma_start3A_195 : memref<10112x128xf32, #tpu.memory_space<vmem_shared>>) offsets(%dma_start3A_192 : memref<128xi32, #tpu.memory_space<vmem>>) semaphore(%arg15 : memref<!tpu.dma_semaphore, #tpu.memory_space<semaphore_mem>>) {add = true}
        %dma_wait3A_196 = arith.constant 0 : i32
        %dma_wait3A_197 = tpu.memref_slice %arg8[%dma_wait3A_196] : memref<5120xi32, #tpu.memory_space<vmem>> -> memref<128xi32, #tpu.memory_space<vmem>>
        %dma_wait3A_198 = arith.constant 0 : i32
        %dma_wait3A_199 = arith.constant 0 : i32
        %dma_wait3A_200 = tpu.memref_slice %arg2[%dma_wait3A_198, %dma_wait3A_199] : memref<10000x128xf32, #tpu.memory_space<hbm>> -> memref<10000x128xf32, #tpu.memory_space<hbm>>
        tpu.wait_indirect_dma semaphore(%arg14 : memref<!tpu.dma_semaphore, #tpu.memory_space<semaphore_mem>>) src(%dma_wait3A_200 : memref<10000x128xf32, #tpu.memory_space<hbm>>) dst(%arg12 : memref<128x128xf32, #tpu.memory_space<vmem>>)
        %add3A_201 = arith.constant 1 : i32
        %add3A_202 = arith.addi %mul3A_79, %add3A_201 : i32
        %mul3A_203 = arith.constant 128 : i32
        %mul3A_204 = arith.muli %add3A_202, %mul3A_203 : i32
        %add3A_205 = arith.constant 0 : i32
        %add3A_206 = arith.addi %mul3A_204, %add3A_205 : i32
        %get3A_207 = arith.index_cast %add3A_206 : i32 to index
        %get3A_208 = tpu.vector_load %arg9[%get3A_207] {strides = array<i32>} : memref<5120xi32, #tpu.memory_space<vmem>>, vector<16xi32>,
        %get3A_209 = vector.shape_cast %get3A_208 : vector<16xi32> to vector<16xi32>
        %swap3A_210 = arith.constant 1 : i32
        %swap3A_211 = arith.index_cast %swap3A_210 : i32 to index
        %swap3A_212 = arith.constant 0 : index
        %swap3A_213 = tpu.vector_load %arg10[%swap3A_211, %swap3A_212] {strides = array<i32>} : memref<2x128xi32, #tpu.memory_space<vmem>>, vector<1x16xi32>,
        %swap3A_214 = vector.shape_cast %swap3A_213 : vector<1x16xi32> to vector<16xi32>
        %swap3A_215 = vector.shape_cast %get3A_209 : vector<16xi32> to vector<1x16xi32>
        tpu.vector_store %arg10[%swap3A_211, %swap3A_212], %swap3A_215 {strides = array<i32>} : memref<2x128xi32, #tpu.memory_space<vmem>>, vector<1x16xi32>,
        %mul3A_216 = arith.constant 128 : i32
        %mul3A_217 = arith.muli %add3A_202, %mul3A_216 : i32
        %add3A_218 = arith.constant 16 : i32
        %add3A_219 = arith.addi %mul3A_217, %add3A_218 : i32
        %get3A_220 = arith.index_cast %add3A_219 : i32 to index
        %get3A_221 = tpu.vector_load %arg9[%get3A_220] {strides = array<i32>} : memref<5120xi32, #tpu.memory_space<vmem>>, vector<16xi32>,
        %get3A_222 = vector.shape_cast %get3A_221 : vector<16xi32> to vector<16xi32>
        %swap3A_223 = arith.constant 1 : i32
        %swap3A_224 = arith.index_cast %swap3A_223 : i32 to index
        %swap3A_225 = arith.constant 16 : index
        %swap3A_226 = tpu.vector_load %arg10[%swap3A_224, %swap3A_225] {strides = array<i32>} : memref<2x128xi32, #tpu.memory_space<vmem>>, vector<1x16xi32>,
        %swap3A_227 = vector.shape_cast %swap3A_226 : vector<1x16xi32> to vector<16xi32>
        %swap3A_228 = vector.shape_cast %get3A_222 : vector<16xi32> to vector<1x16xi32>
        tpu.vector_store %arg10[%swap3A_224, %swap3A_225], %swap3A_228 {strides = array<i32>} : memref<2x128xi32, #tpu.memory_space<vmem>>, vector<1x16xi32>,
        %mul3A_229 = arith.constant 128 : i32
        %mul3A_230 = arith.muli %add3A_202, %mul3A_229 : i32
        %add3A_231 = arith.constant 32 : i32
        %add3A_232 = arith.addi %mul3A_230, %add3A_231 : i32
        %get3A_233 = arith.index_cast %add3A_232 : i32 to index
        %get3A_234 = tpu.vector_load %arg9[%get3A_233] {strides = array<i32>} : memref<5120xi32, #tpu.memory_space<vmem>>, vector<16xi32>,
        %get3A_235 = vector.shape_cast %get3A_234 : vector<16xi32> to vector<16xi32>
        %swap3A_236 = arith.constant 1 : i32
        %swap3A_237 = arith.index_cast %swap3A_236 : i32 to index
        %swap3A_238 = arith.constant 32 : index
        %swap3A_239 = tpu.vector_load %arg10[%swap3A_237, %swap3A_238] {strides = array<i32>} : memref<2x128xi32, #tpu.memory_space<vmem>>, vector<1x16xi32>,
        %swap3A_240 = vector.shape_cast %swap3A_239 : vector<1x16xi32> to vector<16xi32>
        %swap3A_241 = vector.shape_cast %get3A_235 : vector<16xi32> to vector<1x16xi32>
        tpu.vector_store %arg10[%swap3A_237, %swap3A_238], %swap3A_241 {strides = array<i32>} : memref<2x128xi32, #tpu.memory_space<vmem>>, vector<1x16xi32>,
        %mul3A_242 = arith.constant 128 : i32
        %mul3A_243 = arith.muli %add3A_202, %mul3A_242 : i32
        %add3A_244 = arith.constant 48 : i32
        %add3A_245 = arith.addi %mul3A_243, %add3A_244 : i32
        %get3A_246 = arith.index_cast %add3A_245 : i32 to index
        %get3A_247 = tpu.vector_load %arg9[%get3A_246] {strides = array<i32>} : memref<5120xi32, #tpu.memory_space<vmem>>, vector<16xi32>,
        %get3A_248 = vector.shape_cast %get3A_247 : vector<16xi32> to vector<16xi32>
        %swap3A_249 = arith.constant 1 : i32
        %swap3A_250 = arith.index_cast %swap3A_249 : i32 to index
        %swap3A_251 = arith.constant 48 : index
        %swap3A_252 = tpu.vector_load %arg10[%swap3A_250, %swap3A_251] {strides = array<i32>} : memref<2x128xi32, #tpu.memory_space<vmem>>, vector<1x16xi32>,
        %swap3A_253 = vector.shape_cast %swap3A_252 : vector<1x16xi32> to vector<16xi32>
        %swap3A_254 = vector.shape_cast %get3A_248 : vector<16xi32> to vector<1x16xi32>
        tpu.vector_store %arg10[%swap3A_250, %swap3A_251], %swap3A_254 {strides = array<i32>} : memref<2x128xi32, #tpu.memory_space<vmem>>, vector<1x16xi32>,
        %mul3A_255 = arith.constant 128 : i32
        %mul3A_256 = arith.muli %add3A_202, %mul3A_255 : i32
        %add3A_257 = arith.constant 64 : i32
        %add3A_258 = arith.addi %mul3A_256, %add3A_257 : i32
        %get3A_259 = arith.index_cast %add3A_258 : i32 to index
        %get3A_260 = tpu.vector_load %arg9[%get3A_259] {strides = array<i32>} : memref<5120xi32, #tpu.memory_space<vmem>>, vector<16xi32>,
        %get3A_261 = vector.shape_cast %get3A_260 : vector<16xi32> to vector<16xi32>
        %swap3A_262 = arith.constant 1 : i32
        %swap3A_263 = arith.index_cast %swap3A_262 : i32 to index
        %swap3A_264 = arith.constant 64 : index
        %swap3A_265 = tpu.vector_load %arg10[%swap3A_263, %swap3A_264] {strides = array<i32>} : memref<2x128xi32, #tpu.memory_space<vmem>>, vector<1x16xi32>,
        %swap3A_266 = vector.shape_cast %swap3A_265 : vector<1x16xi32> to vector<16xi32>
        %swap3A_267 = vector.shape_cast %get3A_261 : vector<16xi32> to vector<1x16xi32>
        tpu.vector_store %arg10[%swap3A_263, %swap3A_264], %swap3A_267 {strides = array<i32>} : memref<2x128xi32, #tpu.memory_space<vmem>>, vector<1x16xi32>,
        %mul3A_268 = arith.constant 128 : i32
        %mul3A_269 = arith.muli %add3A_202, %mul3A_268 : i32
        %add3A_270 = arith.constant 80 : i32
        %add3A_271 = arith.addi %mul3A_269, %add3A_270 : i32
        %get3A_272 = arith.index_cast %add3A_271 : i32 to index
        %get3A_273 = tpu.vector_load %arg9[%get3A_272] {strides = array<i32>} : memref<5120xi32, #tpu.memory_space<vmem>>, vector<16xi32>,
        %get3A_274 = vector.shape_cast %get3A_273 : vector<16xi32> to vector<16xi32>
        %swap3A_275 = arith.constant 1 : i32
        %swap3A_276 = arith.index_cast %swap3A_275 : i32 to index
        %swap3A_277 = arith.constant 80 : index
        %swap3A_278 = tpu.vector_load %arg10[%swap3A_276, %swap3A_277] {strides = array<i32>} : memref<2x128xi32, #tpu.memory_space<vmem>>, vector<1x16xi32>,
        %swap3A_279 = vector.shape_cast %swap3A_278 : vector<1x16xi32> to vector<16xi32>
        %swap3A_280 = vector.shape_cast %get3A_274 : vector<16xi32> to vector<1x16xi32>
        tpu.vector_store %arg10[%swap3A_276, %swap3A_277], %swap3A_280 {strides = array<i32>} : memref<2x128xi32, #tpu.memory_space<vmem>>, vector<1x16xi32>,
        %mul3A_281 = arith.constant 128 : i32
        %mul3A_282 = arith.muli %add3A_202, %mul3A_281 : i32
        %add3A_283 = arith.constant 96 : i32
        %add3A_284 = arith.addi %mul3A_282, %add3A_283 : i32
        %get3A_285 = arith.index_cast %add3A_284 : i32 to index
        %get3A_286 = tpu.vector_load %arg9[%get3A_285] {strides = array<i32>} : memref<5120xi32, #tpu.memory_space<vmem>>, vector<16xi32>,
        %get3A_287 = vector.shape_cast %get3A_286 : vector<16xi32> to vector<16xi32>
        %swap3A_288 = arith.constant 1 : i32
        %swap3A_289 = arith.index_cast %swap3A_288 : i32 to index
        %swap3A_290 = arith.constant 96 : index
        %swap3A_291 = tpu.vector_load %arg10[%swap3A_289, %swap3A_290] {strides = array<i32>} : memref<2x128xi32, #tpu.memory_space<vmem>>, vector<1x16xi32>,
        %swap3A_292 = vector.shape_cast %swap3A_291 : vector<1x16xi32> to vector<16xi32>
        %swap3A_293 = vector.shape_cast %get3A_287 : vector<16xi32> to vector<1x16xi32>
        tpu.vector_store %arg10[%swap3A_289, %swap3A_290], %swap3A_293 {strides = array<i32>} : memref<2x128xi32, #tpu.memory_space<vmem>>, vector<1x16xi32>,
        %mul3A_294 = arith.constant 128 : i32
        %mul3A_295 = arith.muli %add3A_202, %mul3A_294 : i32
        %add3A_296 = arith.constant 112 : i32
        %add3A_297 = arith.addi %mul3A_295, %add3A_296 : i32
        %get3A_298 = arith.index_cast %add3A_297 : i32 to index
        %get3A_299 = tpu.vector_load %arg9[%get3A_298] {strides = array<i32>} : memref<5120xi32, #tpu.memory_space<vmem>>, vector<16xi32>,
        %get3A_300 = vector.shape_cast %get3A_299 : vector<16xi32> to vector<16xi32>
        %swap3A_301 = arith.constant 1 : i32
        %swap3A_302 = arith.index_cast %swap3A_301 : i32 to index
        %swap3A_303 = arith.constant 112 : index
        %swap3A_304 = tpu.vector_load %arg10[%swap3A_302, %swap3A_303] {strides = array<i32>} : memref<2x128xi32, #tpu.memory_space<vmem>>, vector<1x16xi32>,
        %swap3A_305 = vector.shape_cast %swap3A_304 : vector<1x16xi32> to vector<16xi32>
        %swap3A_306 = vector.shape_cast %get3A_300 : vector<16xi32> to vector<1x16xi32>
        tpu.vector_store %arg10[%swap3A_302, %swap3A_303], %swap3A_306 {strides = array<i32>} : memref<2x128xi32, #tpu.memory_space<vmem>>, vector<1x16xi32>,
        %dma_start3A_307 = arith.constant 1 : i32
        %dma_start3A_308 = arith.constant 0 : i32
        %dma_start3A_309 = tpu.memref_slice %arg10[%dma_start3A_307, %dma_start3A_308] : memref<2x128xi32, #tpu.memory_space<vmem>> -> memref<1x128xi32, #tpu.memory_space<vmem>>
        %dma_start3A_310 = tpu.memref_squeeze %dma_start3A_309 : memref<1x128xi32, #tpu.memory_space<vmem>> -> memref<128xi32, #tpu.memory_space<vmem>>
        %dma_start3A_311 = arith.constant 0 : i32
        %dma_start3A_312 = arith.constant 0 : i32
        %dma_start3A_313 = tpu.memref_slice %arg7[%dma_start3A_311, %dma_start3A_312] : memref<10112x128xf32, #tpu.memory_space<vmem_shared>> -> memref<10112x128xf32, #tpu.memory_space<vmem_shared>>
        tpu.enqueue_indirect_dma source(%arg12 : memref<128x128xf32, #tpu.memory_space<vmem>>) target(%dma_start3A_313 : memref<10112x128xf32, #tpu.memory_space<vmem_shared>>) offsets(%dma_start3A_310 : memref<128xi32, #tpu.memory_space<vmem>>) semaphore(%arg16 : memref<!tpu.dma_semaphore, #tpu.memory_space<semaphore_mem>>) {add = true}
        %add3A_314 = arith.constant 2 : i32
        %add3A_315 = arith.addi %mul3A_79, %add3A_314 : i32
        %add3A_316 = arith.constant 0 : i32
        %add3A_317 = arith.addi %add3A_315, %add3A_316 : i32
        %lt3A = arith.constant 40 : i32
        %lt3A_318 = arith.cmpi slt, %add3A_317, %lt3A : i32
        %convert_element_type3A_319 = arith.extui %lt3A_318 : i1 to i32
        %cond3A_320 = arith.constant 0 : i32
        %cond3A_321 = arith.cmpi ne, %convert_element_type3A_319, %cond3A_320 : i32
        scf.if %cond3A_321 {
          %dma_wait3A_331 = arith.constant 0 : i32
          %dma_wait3A_332 = arith.constant 0 : i32
          %dma_wait3A_333 = tpu.memref_slice %arg10[%dma_wait3A_331, %dma_wait3A_332] : memref<2x128xi32, #tpu.memory_space<vmem>> -> memref<1x128xi32, #tpu.memory_space<vmem>>
          %dma_wait3A_334 = tpu.memref_squeeze %dma_wait3A_333 : memref<1x128xi32, #tpu.memory_space<vmem>> -> memref<128xi32, #tpu.memory_space<vmem>>
          %dma_wait3A_335 = arith.constant 0 : i32
          %dma_wait3A_336 = arith.constant 0 : i32
          %dma_wait3A_337 = tpu.memref_slice %arg7[%dma_wait3A_335, %dma_wait3A_336] : memref<10112x128xf32, #tpu.memory_space<vmem_shared>> -> memref<10112x128xf32, #tpu.memory_space<vmem_shared>>
          tpu.wait_indirect_dma semaphore(%arg15 : memref<!tpu.dma_semaphore, #tpu.memory_space<semaphore_mem>>) src(%arg11 : memref<128x128xf32, #tpu.memory_space<vmem>>) dst(%dma_wait3A_337 : memref<10112x128xf32, #tpu.memory_space<vmem_shared>>)
          %add3A_338 = arith.constant 2 : i32
          %add3A_339 = arith.addi %mul3A_79, %add3A_338 : i32
          %add3A_340 = arith.constant 0 : i32
          %add3A_341 = arith.addi %add3A_339, %add3A_340 : i32
          %mul3A_342 = arith.constant 128 : i32
          %mul3A_343 = arith.muli %add3A_341, %mul3A_342 : i32
          %dma_start3A_344 = tpu.memref_slice %arg8[%mul3A_343] : memref<5120xi32, #tpu.memory_space<vmem>> -> memref<128xi32, #tpu.memory_space<vmem>>
          %dma_start3A_345 = arith.constant 0 : i32
          %dma_start3A_346 = arith.constant 0 : i32
          %dma_start3A_347 = tpu.memref_slice %arg2[%dma_start3A_345, %dma_start3A_346] : memref<10000x128xf32, #tpu.memory_space<hbm>> -> memref<10000x128xf32, #tpu.memory_space<hbm>>
          tpu.enqueue_indirect_dma source(%dma_start3A_347 : memref<10000x128xf32, #tpu.memory_space<hbm>>) target(%arg11 : memref<128x128xf32, #tpu.memory_space<vmem>>) offsets(%dma_start3A_344 : memref<128xi32, #tpu.memory_space<vmem>>) semaphore(%arg13 : memref<!tpu.dma_semaphore, #tpu.memory_space<semaphore_mem>>)
        } else {
        }
        %add3A_322 = arith.constant 2 : i32
        %add3A_323 = arith.addi %mul3A_79, %add3A_322 : i32
        %add3A_324 = arith.constant 1 : i32
        %add3A_325 = arith.addi %add3A_323, %add3A_324 : i32
        %lt3A_326 = arith.constant 40 : i32
        %lt3A_327 = arith.cmpi slt, %add3A_325, %lt3A_326 : i32
        %convert_element_type3A_328 = arith.extui %lt3A_327 : i1 to i32
        %cond3A_329 = arith.constant 0 : i32
        %cond3A_330 = arith.cmpi ne, %convert_element_type3A_328, %cond3A_329 : i32
        scf.if %cond3A_330 {
          %dma_wait3A_331 = arith.constant 1 : i32
          %dma_wait3A_332 = arith.constant 0 : i32
          %dma_wait3A_333 = tpu.memref_slice %arg10[%dma_wait3A_331, %dma_wait3A_332] : memref<2x128xi32, #tpu.memory_space<vmem>> -> memref<1x128xi32, #tpu.memory_space<vmem>>
          %dma_wait3A_334 = tpu.memref_squeeze %dma_wait3A_333 : memref<1x128xi32, #tpu.memory_space<vmem>> -> memref<128xi32, #tpu.memory_space<vmem>>
          %dma_wait3A_335 = arith.constant 0 : i32
          %dma_wait3A_336 = arith.constant 0 : i32
          %dma_wait3A_337 = tpu.memref_slice %arg7[%dma_wait3A_335, %dma_wait3A_336] : memref<10112x128xf32, #tpu.memory_space<vmem_shared>> -> memref<10112x128xf32, #tpu.memory_space<vmem_shared>>
          tpu.wait_indirect_dma semaphore(%arg16 : memref<!tpu.dma_semaphore, #tpu.memory_space<semaphore_mem>>) src(%arg12 : memref<128x128xf32, #tpu.memory_space<vmem>>) dst(%dma_wait3A_337 : memref<10112x128xf32, #tpu.memory_space<vmem_shared>>)
          %add3A_338 = arith.constant 2 : i32
          %add3A_339 = arith.addi %mul3A_79, %add3A_338 : i32
          %add3A_340 = arith.constant 1 : i32
          %add3A_341 = arith.addi %add3A_339, %add3A_340 : i32
          %mul3A_342 = arith.constant 128 : i32
          %mul3A_343 = arith.muli %add3A_341, %mul3A_342 : i32
          %dma_start3A_344 = tpu.memref_slice %arg8[%mul3A_343] : memref<5120xi32, #tpu.memory_space<vmem>> -> memref<128xi32, #tpu.memory_space<vmem>>
          %dma_start3A_345 = arith.constant 0 : i32
          %dma_start3A_346 = arith.constant 0 : i32
          %dma_start3A_347 = tpu.memref_slice %arg2[%dma_start3A_345, %dma_start3A_346] : memref<10000x128xf32, #tpu.memory_space<hbm>> -> memref<10000x128xf32, #tpu.memory_space<hbm>>
          tpu.enqueue_indirect_dma source(%dma_start3A_347 : memref<10000x128xf32, #tpu.memory_space<hbm>>) target(%arg12 : memref<128x128xf32, #tpu.memory_space<vmem>>) offsets(%dma_start3A_344 : memref<128xi32, #tpu.memory_space<vmem>>) semaphore(%arg14 : memref<!tpu.dma_semaphore, #tpu.memory_space<semaphore_mem>>)
        } else {
        }
      }
      %scan3A_63 = arith.constant 20 : i32
      %dma_wait3A = arith.constant 0 : i32
      %dma_wait3A_64 = arith.constant 0 : i32
      %dma_wait3A_65 = tpu.memref_slice %arg10[%dma_wait3A, %dma_wait3A_64] : memref<2x128xi32, #tpu.memory_space<vmem>> -> memref<1x128xi32, #tpu.memory_space<vmem>>
      %dma_wait3A_66 = tpu.memref_squeeze %dma_wait3A_65 : memref<1x128xi32, #tpu.memory_space<vmem>> -> memref<128xi32, #tpu.memory_space<vmem>>
      %dma_wait3A_67 = arith.constant 0 : i32
      %dma_wait3A_68 = arith.constant 0 : i32
      %dma_wait3A_69 = tpu.memref_slice %arg7[%dma_wait3A_67, %dma_wait3A_68] : memref<10112x128xf32, #tpu.memory_space<vmem_shared>> -> memref<10112x128xf32, #tpu.memory_space<vmem_shared>>
      tpu.wait_indirect_dma semaphore(%arg15 : memref<!tpu.dma_semaphore, #tpu.memory_space<semaphore_mem>>) src(%arg11 : memref<128x128xf32, #tpu.memory_space<vmem>>) dst(%dma_wait3A_69 : memref<10112x128xf32, #tpu.memory_space<vmem_shared>>)
      %dma_wait3A_70 = arith.constant 1 : i32
      %dma_wait3A_71 = arith.constant 0 : i32
      %dma_wait3A_72 = tpu.memref_slice %arg10[%dma_wait3A_70, %dma_wait3A_71] : memref<2x128xi32, #tpu.memory_space<vmem>> -> memref<1x128xi32, #tpu.memory_space<vmem>>
      %dma_wait3A_73 = tpu.memref_squeeze %dma_wait3A_72 : memref<1x128xi32, #tpu.memory_space<vmem>> -> memref<128xi32, #tpu.memory_space<vmem>>
      %dma_wait3A_74 = arith.constant 0 : i32
      %dma_wait3A_75 = arith.constant 0 : i32
      %dma_wait3A_76 = tpu.memref_slice %arg7[%dma_wait3A_74, %dma_wait3A_75] : memref<10112x128xf32, #tpu.memory_space<vmem_shared>> -> memref<10112x128xf32, #tpu.memory_space<vmem_shared>>
      tpu.wait_indirect_dma semaphore(%arg16 : memref<!tpu.dma_semaphore, #tpu.memory_space<semaphore_mem>>) src(%arg12 : memref<128x128xf32, #tpu.memory_space<vmem>>) dst(%dma_wait3A_76 : memref<10112x128xf32, #tpu.memory_space<vmem_shared>>)
    }
    %while3A_34 = arith.constant 1 : i32
    scf.for %while3A_46 = %while3A_32 to %while3A_28 step %while3A_34  : i32 {
      %add3A_47 = arith.addi %mul3A_2, %while3A_46 : i32
      %mul3A_48 = arith.constant 5120 : i32
      %mul3A_49 = arith.muli %add3A_47, %mul3A_48 : i32
      %run_scoped3A = arith.constant 0 : i32
      "tpu.region"() ({
        %run_scoped3A_77 = tpu.sem_alloc : memref<!tpu.dma_semaphore, #tpu.memory_space<semaphore_mem>>
        %dma_start3A_78 = tpu.memref_slice %arg3[%run_scoped3A, %mul3A_49] : memref<2x322560xi32, #tpu.memory_space<hbm>> -> memref<1x5120xi32, #tpu.memory_space<hbm>>
        %dma_start3A_79 = tpu.memref_squeeze %dma_start3A_78 : memref<1x5120xi32, #tpu.memory_space<hbm>> -> memref<5120xi32, #tpu.memory_space<hbm>>
        %dma_start3A_80 = tpu.memref_slice %arg3[%run_scoped3A, %mul3A_49] : memref<2x322560xi32, #tpu.memory_space<hbm>> -> memref<1x5120xi32, #tpu.memory_space<hbm>>
        %dma_start3A_81 = tpu.memref_squeeze %dma_start3A_80 : memref<1x5120xi32, #tpu.memory_space<hbm>> -> memref<5120xi32, #tpu.memory_space<hbm>>
        tpu.enqueue_dma source(%dma_start3A_81 : memref<5120xi32, #tpu.memory_space<hbm>>) target(%arg8 : memref<5120xi32, #tpu.memory_space<vmem>>) target_semaphore(%run_scoped3A_77 : memref<!tpu.dma_semaphore, #tpu.memory_space<semaphore_mem>>)
        %dma_wait3A_82 = tpu.memref_slice %arg3[%run_scoped3A, %mul3A_49] : memref<2x322560xi32, #tpu.memory_space<hbm>> -> memref<1x5120xi32, #tpu.memory_space<hbm>>
        %dma_wait3A_83 = tpu.memref_squeeze %dma_wait3A_82 : memref<1x5120xi32, #tpu.memory_space<hbm>> -> memref<5120xi32, #tpu.memory_space<hbm>>
        %dma_wait3A_84 = tpu.memref_slice %arg3[%run_scoped3A, %mul3A_49] : memref<2x322560xi32, #tpu.memory_space<hbm>> -> memref<1x5120xi32, #tpu.memory_space<hbm>>
        %dma_wait3A_85 = tpu.memref_squeeze %dma_wait3A_84 : memref<1x5120xi32, #tpu.memory_space<hbm>> -> memref<5120xi32, #tpu.memory_space<hbm>>
        tpu.wait_dma2 semaphore(%run_scoped3A_77 : memref<!tpu.dma_semaphore, #tpu.memory_space<semaphore_mem>>) src(%dma_wait3A_85 : memref<5120xi32, #tpu.memory_space<hbm>>) dst(%arg8 : memref<5120xi32, #tpu.memory_space<vmem>>)
        tpu.yield
      }) : () -> ()
      %run_scoped3A_50 = arith.constant 1 : i32
      "tpu.region"() ({
        %run_scoped3A_77 = tpu.sem_alloc : memref<!tpu.dma_semaphore, #tpu.memory_space<semaphore_mem>>
        %dma_start3A_78 = tpu.memref_slice %arg3[%run_scoped3A_50, %mul3A_49] : memref<2x322560xi32, #tpu.memory_space<hbm>> -> memref<1x5120xi32, #tpu.memory_space<hbm>>
        %dma_start3A_79 = tpu.memref_squeeze %dma_start3A_78 : memref<1x5120xi32, #tpu.memory_space<hbm>> -> memref<5120xi32, #tpu.memory_space<hbm>>
        %dma_start3A_80 = tpu.memref_slice %arg3[%run_scoped3A_50, %mul3A_49] : memref<2x322560xi32, #tpu.memory_space<hbm>> -> memref<1x5120xi32, #tpu.memory_space<hbm>>
        %dma_start3A_81 = tpu.memref_squeeze %dma_start3A_80 : memref<1x5120xi32, #tpu.memory_space<hbm>> -> memref<5120xi32, #tpu.memory_space<hbm>>
        tpu.enqueue_dma source(%dma_start3A_81 : memref<5120xi32, #tpu.memory_space<hbm>>) target(%arg9 : memref<5120xi32, #tpu.memory_space<vmem>>) target_semaphore(%run_scoped3A_77 : memref<!tpu.dma_semaphore, #tpu.memory_space<semaphore_mem>>)
        %dma_wait3A_82 = tpu.memref_slice %arg3[%run_scoped3A_50, %mul3A_49] : memref<2x322560xi32, #tpu.memory_space<hbm>> -> memref<1x5120xi32, #tpu.memory_space<hbm>>
        %dma_wait3A_83 = tpu.memref_squeeze %dma_wait3A_82 : memref<1x5120xi32, #tpu.memory_space<hbm>> -> memref<5120xi32, #tpu.memory_space<hbm>>
        %dma_wait3A_84 = tpu.memref_slice %arg3[%run_scoped3A_50, %mul3A_49] : memref<2x322560xi32, #tpu.memory_space<hbm>> -> memref<1x5120xi32, #tpu.memory_space<hbm>>
        %dma_wait3A_85 = tpu.memref_squeeze %dma_wait3A_84 : memref<1x5120xi32, #tpu.memory_space<hbm>> -> memref<5120xi32, #tpu.memory_space<hbm>>
        tpu.wait_dma2 semaphore(%run_scoped3A_77 : memref<!tpu.dma_semaphore, #tpu.memory_space<semaphore_mem>>) src(%dma_wait3A_85 : memref<5120xi32, #tpu.memory_space<hbm>>) dst(%arg9 : memref<5120xi32, #tpu.memory_space<vmem>>)
        tpu.yield
      }) : () -> ()
      %dma_start3A = arith.constant 0 : i32
      %dma_start3A_51 = tpu.memref_slice %arg8[%dma_start3A] : memref<5120xi32, #tpu.memory_space<vmem>> -> memref<128xi32, #tpu.memory_space<vmem>>
      %dma_start3A_52 = arith.constant 0 : i32
      %dma_start3A_53 = arith.constant 0 : i32
      %dma_start3A_54 = tpu.memref_slice %arg2[%dma_start3A_52, %dma_start3A_53] : memref<10000x128xf32, #tpu.memory_space<hbm>> -> memref<10000x128xf32, #tpu.memory_space<hbm>>
      tpu.enqueue_indirect_dma source(%dma_start3A_54 : memref<10000x128xf32, #tpu.memory_space<hbm>>) target(%arg11 : memref<128x128xf32, #tpu.memory_space<vmem>>) offsets(%dma_start3A_51 : memref<128xi32, #tpu.memory_space<vmem>>) semaphore(%arg13 : memref<!tpu.dma_semaphore, #tpu.memory_space<semaphore_mem>>)
      %dma_start3A_55 = arith.constant 128 : i32
      %dma_start3A_56 = tpu.memref_slice %arg8[%dma_start3A_55] : memref<5120xi32, #tpu.memory_space<vmem>> -> memref<128xi32, #tpu.memory_space<vmem>>
      %dma_start3A_57 = arith.constant 0 : i32
      %dma_start3A_58 = arith.constant 0 : i32
      %dma_start3A_59 = tpu.memref_slice %arg2[%dma_start3A_57, %dma_start3A_58] : memref<10000x128xf32, #tpu.memory_space<hbm>> -> memref<10000x128xf32, #tpu.memory_space<hbm>>
      tpu.enqueue_indirect_dma source(%dma_start3A_59 : memref<10000x128xf32, #tpu.memory_space<hbm>>) target(%arg12 : memref<128x128xf32, #tpu.memory_space<vmem>>) offsets(%dma_start3A_56 : memref<128xi32, #tpu.memory_space<vmem>>) semaphore(%arg14 : memref<!tpu.dma_semaphore, #tpu.memory_space<semaphore_mem>>)
      %scan3A = arith.constant 0 : i32
      %scan3A_60 = arith.constant 20 : i32
      %scan3A_61 = arith.addi %scan3A, %scan3A_60 : i32
      %scan3A_62 = arith.constant 1 : i32
      scf.for %scan3A_77 = %scan3A to %scan3A_61 step %scan3A_62  : i32 {
        %mul3A_78 = arith.constant 2 : i32
        %mul3A_79 = arith.muli %scan3A_77, %mul3A_78 : i32
        %dma_wait3A_80 = arith.constant 0 : i32
        %dma_wait3A_81 = tpu.memref_slice %arg8[%dma_wait3A_80] : memref<5120xi32, #tpu.memory_space<vmem>> -> memref<128xi32, #tpu.memory_space<vmem>>
        %dma_wait3A_82 = arith.constant 0 : i32
        %dma_wait3A_83 = arith.constant 0 : i32
        %dma_wait3A_84 = tpu.memref_slice %arg2[%dma_wait3A_82, %dma_wait3A_83] : memref<10000x128xf32, #tpu.memory_space<hbm>> -> memref<10000x128xf32, #tpu.memory_space<hbm>>
        tpu.wait_indirect_dma semaphore(%arg13 : memref<!tpu.dma_semaphore, #tpu.memory_space<semaphore_mem>>) src(%dma_wait3A_84 : memref<10000x128xf32, #tpu.memory_space<hbm>>) dst(%arg11 : memref<128x128xf32, #tpu.memory_space<vmem>>)
        %add3A_85 = arith.constant 0 : i32
        %add3A_86 = arith.addi %mul3A_79, %add3A_85 : i32
        %mul3A_87 = arith.constant 128 : i32
        %mul3A_88 = arith.muli %add3A_86, %mul3A_87 : i32
        %add3A_89 = arith.constant 0 : i32
        %add3A_90 = arith.addi %mul3A_88, %add3A_89 : i32
        %get3A = arith.index_cast %add3A_90 : i32 to index
        %get3A_91 = tpu.vector_load %arg9[%get3A] {strides = array<i32>} : memref<5120xi32, #tpu.memory_space<vmem>>, vector<16xi32>,
        %get3A_92 = vector.shape_cast %get3A_91 : vector<16xi32> to vector<16xi32>
        %swap3A = arith.constant 0 : i32
        %swap3A_93 = arith.index_cast %swap3A : i32 to index
        %swap3A_94 = arith.constant 0 : index
        %swap3A_95 = tpu.vector_load %arg10[%swap3A_93, %swap3A_94] {strides = array<i32>} : memref<2x128xi32, #tpu.memory_space<vmem>>, vector<1x16xi32>,
        %swap3A_96 = vector.shape_cast %swap3A_95 : vector<1x16xi32> to vector<16xi32>
        %swap3A_97 = vector.shape_cast %get3A_92 : vector<16xi32> to vector<1x16xi32>
        tpu.vector_store %arg10[%swap3A_93, %swap3A_94], %swap3A_97 {strides = array<i32>} : memref<2x128xi32, #tpu.memory_space<vmem>>, vector<1x16xi32>,
        %mul3A_98 = arith.constant 128 : i32
        %mul3A_99 = arith.muli %add3A_86, %mul3A_98 : i32
        %add3A_100 = arith.constant 16 : i32
        %add3A_101 = arith.addi %mul3A_99, %add3A_100 : i32
        %get3A_102 = arith.index_cast %add3A_101 : i32 to index
        %get3A_103 = tpu.vector_load %arg9[%get3A_102] {strides = array<i32>} : memref<5120xi32, #tpu.memory_space<vmem>>, vector<16xi32>,
        %get3A_104 = vector.shape_cast %get3A_103 : vector<16xi32> to vector<16xi32>
        %swap3A_105 = arith.constant 0 : i32
        %swap3A_106 = arith.index_cast %swap3A_105 : i32 to index
        %swap3A_107 = arith.constant 16 : index
        %swap3A_108 = tpu.vector_load %arg10[%swap3A_106, %swap3A_107] {strides = array<i32>} : memref<2x128xi32, #tpu.memory_space<vmem>>, vector<1x16xi32>,
        %swap3A_109 = vector.shape_cast %swap3A_108 : vector<1x16xi32> to vector<16xi32>
        %swap3A_110 = vector.shape_cast %get3A_104 : vector<16xi32> to vector<1x16xi32>
        tpu.vector_store %arg10[%swap3A_106, %swap3A_107], %swap3A_110 {strides = array<i32>} : memref<2x128xi32, #tpu.memory_space<vmem>>, vector<1x16xi32>,
        %mul3A_111 = arith.constant 128 : i32
        %mul3A_112 = arith.muli %add3A_86, %mul3A_111 : i32
        %add3A_113 = arith.constant 32 : i32
        %add3A_114 = arith.addi %mul3A_112, %add3A_113 : i32
        %get3A_115 = arith.index_cast %add3A_114 : i32 to index
        %get3A_116 = tpu.vector_load %arg9[%get3A_115] {strides = array<i32>} : memref<5120xi32, #tpu.memory_space<vmem>>, vector<16xi32>,
        %get3A_117 = vector.shape_cast %get3A_116 : vector<16xi32> to vector<16xi32>
        %swap3A_118 = arith.constant 0 : i32
        %swap3A_119 = arith.index_cast %swap3A_118 : i32 to index
        %swap3A_120 = arith.constant 32 : index
        %swap3A_121 = tpu.vector_load %arg10[%swap3A_119, %swap3A_120] {strides = array<i32>} : memref<2x128xi32, #tpu.memory_space<vmem>>, vector<1x16xi32>,
        %swap3A_122 = vector.shape_cast %swap3A_121 : vector<1x16xi32> to vector<16xi32>
        %swap3A_123 = vector.shape_cast %get3A_117 : vector<16xi32> to vector<1x16xi32>
        tpu.vector_store %arg10[%swap3A_119, %swap3A_120], %swap3A_123 {strides = array<i32>} : memref<2x128xi32, #tpu.memory_space<vmem>>, vector<1x16xi32>,
        %mul3A_124 = arith.constant 128 : i32
        %mul3A_125 = arith.muli %add3A_86, %mul3A_124 : i32
        %add3A_126 = arith.constant 48 : i32
        %add3A_127 = arith.addi %mul3A_125, %add3A_126 : i32
        %get3A_128 = arith.index_cast %add3A_127 : i32 to index
        %get3A_129 = tpu.vector_load %arg9[%get3A_128] {strides = array<i32>} : memref<5120xi32, #tpu.memory_space<vmem>>, vector<16xi32>,
        %get3A_130 = vector.shape_cast %get3A_129 : vector<16xi32> to vector<16xi32>
        %swap3A_131 = arith.constant 0 : i32
        %swap3A_132 = arith.index_cast %swap3A_131 : i32 to index
        %swap3A_133 = arith.constant 48 : index
        %swap3A_134 = tpu.vector_load %arg10[%swap3A_132, %swap3A_133] {strides = array<i32>} : memref<2x128xi32, #tpu.memory_space<vmem>>, vector<1x16xi32>,
        %swap3A_135 = vector.shape_cast %swap3A_134 : vector<1x16xi32> to vector<16xi32>
        %swap3A_136 = vector.shape_cast %get3A_130 : vector<16xi32> to vector<1x16xi32>
        tpu.vector_store %arg10[%swap3A_132, %swap3A_133], %swap3A_136 {strides = array<i32>} : memref<2x128xi32, #tpu.memory_space<vmem>>, vector<1x16xi32>,
        %mul3A_137 = arith.constant 128 : i32
        %mul3A_138 = arith.muli %add3A_86, %mul3A_137 : i32
        %add3A_139 = arith.constant 64 : i32
        %add3A_140 = arith.addi %mul3A_138, %add3A_139 : i32
        %get3A_141 = arith.index_cast %add3A_140 : i32 to index
        %get3A_142 = tpu.vector_load %arg9[%get3A_141] {strides = array<i32>} : memref<5120xi32, #tpu.memory_space<vmem>>, vector<16xi32>,
        %get3A_143 = vector.shape_cast %get3A_142 : vector<16xi32> to vector<16xi32>
        %swap3A_144 = arith.constant 0 : i32
        %swap3A_145 = arith.index_cast %swap3A_144 : i32 to index
        %swap3A_146 = arith.constant 64 : index
        %swap3A_147 = tpu.vector_load %arg10[%swap3A_145, %swap3A_146] {strides = array<i32>} : memref<2x128xi32, #tpu.memory_space<vmem>>, vector<1x16xi32>,
        %swap3A_148 = vector.shape_cast %swap3A_147 : vector<1x16xi32> to vector<16xi32>
        %swap3A_149 = vector.shape_cast %get3A_143 : vector<16xi32> to vector<1x16xi32>
        tpu.vector_store %arg10[%swap3A_145, %swap3A_146], %swap3A_149 {strides = array<i32>} : memref<2x128xi32, #tpu.memory_space<vmem>>, vector<1x16xi32>,
        %mul3A_150 = arith.constant 128 : i32
        %mul3A_151 = arith.muli %add3A_86, %mul3A_150 : i32
        %add3A_152 = arith.constant 80 : i32
        %add3A_153 = arith.addi %mul3A_151, %add3A_152 : i32
        %get3A_154 = arith.index_cast %add3A_153 : i32 to index
        %get3A_155 = tpu.vector_load %arg9[%get3A_154] {strides = array<i32>} : memref<5120xi32, #tpu.memory_space<vmem>>, vector<16xi32>,
        %get3A_156 = vector.shape_cast %get3A_155 : vector<16xi32> to vector<16xi32>
        %swap3A_157 = arith.constant 0 : i32
        %swap3A_158 = arith.index_cast %swap3A_157 : i32 to index
        %swap3A_159 = arith.constant 80 : index
        %swap3A_160 = tpu.vector_load %arg10[%swap3A_158, %swap3A_159] {strides = array<i32>} : memref<2x128xi32, #tpu.memory_space<vmem>>, vector<1x16xi32>,
        %swap3A_161 = vector.shape_cast %swap3A_160 : vector<1x16xi32> to vector<16xi32>
        %swap3A_162 = vector.shape_cast %get3A_156 : vector<16xi32> to vector<1x16xi32>
        tpu.vector_store %arg10[%swap3A_158, %swap3A_159], %swap3A_162 {strides = array<i32>} : memref<2x128xi32, #tpu.memory_space<vmem>>, vector<1x16xi32>,
        %mul3A_163 = arith.constant 128 : i32
        %mul3A_164 = arith.muli %add3A_86, %mul3A_163 : i32
        %add3A_165 = arith.constant 96 : i32
        %add3A_166 = arith.addi %mul3A_164, %add3A_165 : i32
        %get3A_167 = arith.index_cast %add3A_166 : i32 to index
        %get3A_168 = tpu.vector_load %arg9[%get3A_167] {strides = array<i32>} : memref<5120xi32, #tpu.memory_space<vmem>>, vector<16xi32>,
        %get3A_169 = vector.shape_cast %get3A_168 : vector<16xi32> to vector<16xi32>
        %swap3A_170 = arith.constant 0 : i32
        %swap3A_171 = arith.index_cast %swap3A_170 : i32 to index
        %swap3A_172 = arith.constant 96 : index
        %swap3A_173 = tpu.vector_load %arg10[%swap3A_171, %swap3A_172] {strides = array<i32>} : memref<2x128xi32, #tpu.memory_space<vmem>>, vector<1x16xi32>,
        %swap3A_174 = vector.shape_cast %swap3A_173 : vector<1x16xi32> to vector<16xi32>
        %swap3A_175 = vector.shape_cast %get3A_169 : vector<16xi32> to vector<1x16xi32>
        tpu.vector_store %arg10[%swap3A_171, %swap3A_172], %swap3A_175 {strides = array<i32>} : memref<2x128xi32, #tpu.memory_space<vmem>>, vector<1x16xi32>,
        %mul3A_176 = arith.constant 128 : i32
        %mul3A_177 = arith.muli %add3A_86, %mul3A_176 : i32
        %add3A_178 = arith.constant 112 : i32
        %add3A_179 = arith.addi %mul3A_177, %add3A_178 : i32
        %get3A_180 = arith.index_cast %add3A_179 : i32 to index
        %get3A_181 = tpu.vector_load %arg9[%get3A_180] {strides = array<i32>} : memref<5120xi32, #tpu.memory_space<vmem>>, vector<16xi32>,
        %get3A_182 = vector.shape_cast %get3A_181 : vector<16xi32> to vector<16xi32>
        %swap3A_183 = arith.constant 0 : i32
        %swap3A_184 = arith.index_cast %swap3A_183 : i32 to index
        %swap3A_185 = arith.constant 112 : index
        %swap3A_186 = tpu.vector_load %arg10[%swap3A_184, %swap3A_185] {strides = array<i32>} : memref<2x128xi32, #tpu.memory_space<vmem>>, vector<1x16xi32>,
        %swap3A_187 = vector.shape_cast %swap3A_186 : vector<1x16xi32> to vector<16xi32>
        %swap3A_188 = vector.shape_cast %get3A_182 : vector<16xi32> to vector<1x16xi32>
        tpu.vector_store %arg10[%swap3A_184, %swap3A_185], %swap3A_188 {strides = array<i32>} : memref<2x128xi32, #tpu.memory_space<vmem>>, vector<1x16xi32>,
        %dma_start3A_189 = arith.constant 0 : i32
        %dma_start3A_190 = arith.constant 0 : i32
        %dma_start3A_191 = tpu.memref_slice %arg10[%dma_start3A_189, %dma_start3A_190] : memref<2x128xi32, #tpu.memory_space<vmem>> -> memref<1x128xi32, #tpu.memory_space<vmem>>
        %dma_start3A_192 = tpu.memref_squeeze %dma_start3A_191 : memref<1x128xi32, #tpu.memory_space<vmem>> -> memref<128xi32, #tpu.memory_space<vmem>>
        %dma_start3A_193 = arith.constant 0 : i32
        %dma_start3A_194 = arith.constant 0 : i32
        %dma_start3A_195 = tpu.memref_slice %arg7[%dma_start3A_193, %dma_start3A_194] : memref<10112x128xf32, #tpu.memory_space<vmem_shared>> -> memref<10112x128xf32, #tpu.memory_space<vmem_shared>>
        tpu.enqueue_indirect_dma source(%arg11 : memref<128x128xf32, #tpu.memory_space<vmem>>) target(%dma_start3A_195 : memref<10112x128xf32, #tpu.memory_space<vmem_shared>>) offsets(%dma_start3A_192 : memref<128xi32, #tpu.memory_space<vmem>>) semaphore(%arg15 : memref<!tpu.dma_semaphore, #tpu.memory_space<semaphore_mem>>) {add = true}
        %dma_wait3A_196 = arith.constant 0 : i32
        %dma_wait3A_197 = tpu.memref_slice %arg8[%dma_wait3A_196] : memref<5120xi32, #tpu.memory_space<vmem>> -> memref<128xi32, #tpu.memory_space<vmem>>
        %dma_wait3A_198 = arith.constant 0 : i32
        %dma_wait3A_199 = arith.constant 0 : i32
        %dma_wait3A_200 = tpu.memref_slice %arg2[%dma_wait3A_198, %dma_wait3A_199] : memref<10000x128xf32, #tpu.memory_space<hbm>> -> memref<10000x128xf32, #tpu.memory_space<hbm>>
        tpu.wait_indirect_dma semaphore(%arg14 : memref<!tpu.dma_semaphore, #tpu.memory_space<semaphore_mem>>) src(%dma_wait3A_200 : memref<10000x128xf32, #tpu.memory_space<hbm>>) dst(%arg12 : memref<128x128xf32, #tpu.memory_space<vmem>>)
        %add3A_201 = arith.constant 1 : i32
        %add3A_202 = arith.addi %mul3A_79, %add3A_201 : i32
        %mul3A_203 = arith.constant 128 : i32
        %mul3A_204 = arith.muli %add3A_202, %mul3A_203 : i32
        %add3A_205 = arith.constant 0 : i32
        %add3A_206 = arith.addi %mul3A_204, %add3A_205 : i32
        %get3A_207 = arith.index_cast %add3A_206 : i32 to index
        %get3A_208 = tpu.vector_load %arg9[%get3A_207] {strides = array<i32>} : memref<5120xi32, #tpu.memory_space<vmem>>, vector<16xi32>,
        %get3A_209 = vector.shape_cast %get3A_208 : vector<16xi32> to vector<16xi32>
        %swap3A_210 = arith.constant 1 : i32
        %swap3A_211 = arith.index_cast %swap3A_210 : i32 to index
        %swap3A_212 = arith.constant 0 : index
        %swap3A_213 = tpu.vector_load %arg10[%swap3A_211, %swap3A_212] {strides = array<i32>} : memref<2x128xi32, #tpu.memory_space<vmem>>, vector<1x16xi32>,
        %swap3A_214 = vector.shape_cast %swap3A_213 : vector<1x16xi32> to vector<16xi32>
        %swap3A_215 = vector.shape_cast %get3A_209 : vector<16xi32> to vector<1x16xi32>
        tpu.vector_store %arg10[%swap3A_211, %swap3A_212], %swap3A_215 {strides = array<i32>} : memref<2x128xi32, #tpu.memory_space<vmem>>, vector<1x16xi32>,
        %mul3A_216 = arith.constant 128 : i32
        %mul3A_217 = arith.muli %add3A_202, %mul3A_216 : i32
        %add3A_218 = arith.constant 16 : i32
        %add3A_219 = arith.addi %mul3A_217, %add3A_218 : i32
        %get3A_220 = arith.index_cast %add3A_219 : i32 to index
        %get3A_221 = tpu.vector_load %arg9[%get3A_220] {strides = array<i32>} : memref<5120xi32, #tpu.memory_space<vmem>>, vector<16xi32>,
        %get3A_222 = vector.shape_cast %get3A_221 : vector<16xi32> to vector<16xi32>
        %swap3A_223 = arith.constant 1 : i32
        %swap3A_224 = arith.index_cast %swap3A_223 : i32 to index
        %swap3A_225 = arith.constant 16 : index
        %swap3A_226 = tpu.vector_load %arg10[%swap3A_224, %swap3A_225] {strides = array<i32>} : memref<2x128xi32, #tpu.memory_space<vmem>>, vector<1x16xi32>,
        %swap3A_227 = vector.shape_cast %swap3A_226 : vector<1x16xi32> to vector<16xi32>
        %swap3A_228 = vector.shape_cast %get3A_222 : vector<16xi32> to vector<1x16xi32>
        tpu.vector_store %arg10[%swap3A_224, %swap3A_225], %swap3A_228 {strides = array<i32>} : memref<2x128xi32, #tpu.memory_space<vmem>>, vector<1x16xi32>,
        %mul3A_229 = arith.constant 128 : i32
        %mul3A_230 = arith.muli %add3A_202, %mul3A_229 : i32
        %add3A_231 = arith.constant 32 : i32
        %add3A_232 = arith.addi %mul3A_230, %add3A_231 : i32
        %get3A_233 = arith.index_cast %add3A_232 : i32 to index
        %get3A_234 = tpu.vector_load %arg9[%get3A_233] {strides = array<i32>} : memref<5120xi32, #tpu.memory_space<vmem>>, vector<16xi32>,
        %get3A_235 = vector.shape_cast %get3A_234 : vector<16xi32> to vector<16xi32>
        %swap3A_236 = arith.constant 1 : i32
        %swap3A_237 = arith.index_cast %swap3A_236 : i32 to index
        %swap3A_238 = arith.constant 32 : index
        %swap3A_239 = tpu.vector_load %arg10[%swap3A_237, %swap3A_238] {strides = array<i32>} : memref<2x128xi32, #tpu.memory_space<vmem>>, vector<1x16xi32>,
        %swap3A_240 = vector.shape_cast %swap3A_239 : vector<1x16xi32> to vector<16xi32>
        %swap3A_241 = vector.shape_cast %get3A_235 : vector<16xi32> to vector<1x16xi32>
        tpu.vector_store %arg10[%swap3A_237, %swap3A_238], %swap3A_241 {strides = array<i32>} : memref<2x128xi32, #tpu.memory_space<vmem>>, vector<1x16xi32>,
        %mul3A_242 = arith.constant 128 : i32
        %mul3A_243 = arith.muli %add3A_202, %mul3A_242 : i32
        %add3A_244 = arith.constant 48 : i32
        %add3A_245 = arith.addi %mul3A_243, %add3A_244 : i32
        %get3A_246 = arith.index_cast %add3A_245 : i32 to index
        %get3A_247 = tpu.vector_load %arg9[%get3A_246] {strides = array<i32>} : memref<5120xi32, #tpu.memory_space<vmem>>, vector<16xi32>,
        %get3A_248 = vector.shape_cast %get3A_247 : vector<16xi32> to vector<16xi32>
        %swap3A_249 = arith.constant 1 : i32
        %swap3A_250 = arith.index_cast %swap3A_249 : i32 to index
        %swap3A_251 = arith.constant 48 : index
        %swap3A_252 = tpu.vector_load %arg10[%swap3A_250, %swap3A_251] {strides = array<i32>} : memref<2x128xi32, #tpu.memory_space<vmem>>, vector<1x16xi32>,
        %swap3A_253 = vector.shape_cast %swap3A_252 : vector<1x16xi32> to vector<16xi32>
        %swap3A_254 = vector.shape_cast %get3A_248 : vector<16xi32> to vector<1x16xi32>
        tpu.vector_store %arg10[%swap3A_250, %swap3A_251], %swap3A_254 {strides = array<i32>} : memref<2x128xi32, #tpu.memory_space<vmem>>, vector<1x16xi32>,
        %mul3A_255 = arith.constant 128 : i32
        %mul3A_256 = arith.muli %add3A_202, %mul3A_255 : i32
        %add3A_257 = arith.constant 64 : i32
        %add3A_258 = arith.addi %mul3A_256, %add3A_257 : i32
        %get3A_259 = arith.index_cast %add3A_258 : i32 to index
        %get3A_260 = tpu.vector_load %arg9[%get3A_259] {strides = array<i32>} : memref<5120xi32, #tpu.memory_space<vmem>>, vector<16xi32>,
        %get3A_261 = vector.shape_cast %get3A_260 : vector<16xi32> to vector<16xi32>
        %swap3A_262 = arith.constant 1 : i32
        %swap3A_263 = arith.index_cast %swap3A_262 : i32 to index
        %swap3A_264 = arith.constant 64 : index
        %swap3A_265 = tpu.vector_load %arg10[%swap3A_263, %swap3A_264] {strides = array<i32>} : memref<2x128xi32, #tpu.memory_space<vmem>>, vector<1x16xi32>,
        %swap3A_266 = vector.shape_cast %swap3A_265 : vector<1x16xi32> to vector<16xi32>
        %swap3A_267 = vector.shape_cast %get3A_261 : vector<16xi32> to vector<1x16xi32>
        tpu.vector_store %arg10[%swap3A_263, %swap3A_264], %swap3A_267 {strides = array<i32>} : memref<2x128xi32, #tpu.memory_space<vmem>>, vector<1x16xi32>,
        %mul3A_268 = arith.constant 128 : i32
        %mul3A_269 = arith.muli %add3A_202, %mul3A_268 : i32
        %add3A_270 = arith.constant 80 : i32
        %add3A_271 = arith.addi %mul3A_269, %add3A_270 : i32
        %get3A_272 = arith.index_cast %add3A_271 : i32 to index
        %get3A_273 = tpu.vector_load %arg9[%get3A_272] {strides = array<i32>} : memref<5120xi32, #tpu.memory_space<vmem>>, vector<16xi32>,
        %get3A_274 = vector.shape_cast %get3A_273 : vector<16xi32> to vector<16xi32>
        %swap3A_275 = arith.constant 1 : i32
        %swap3A_276 = arith.index_cast %swap3A_275 : i32 to index
        %swap3A_277 = arith.constant 80 : index
        %swap3A_278 = tpu.vector_load %arg10[%swap3A_276, %swap3A_277] {strides = array<i32>} : memref<2x128xi32, #tpu.memory_space<vmem>>, vector<1x16xi32>,
        %swap3A_279 = vector.shape_cast %swap3A_278 : vector<1x16xi32> to vector<16xi32>
        %swap3A_280 = vector.shape_cast %get3A_274 : vector<16xi32> to vector<1x16xi32>
        tpu.vector_store %arg10[%swap3A_276, %swap3A_277], %swap3A_280 {strides = array<i32>} : memref<2x128xi32, #tpu.memory_space<vmem>>, vector<1x16xi32>,
        %mul3A_281 = arith.constant 128 : i32
        %mul3A_282 = arith.muli %add3A_202, %mul3A_281 : i32
        %add3A_283 = arith.constant 96 : i32
        %add3A_284 = arith.addi %mul3A_282, %add3A_283 : i32
        %get3A_285 = arith.index_cast %add3A_284 : i32 to index
        %get3A_286 = tpu.vector_load %arg9[%get3A_285] {strides = array<i32>} : memref<5120xi32, #tpu.memory_space<vmem>>, vector<16xi32>,
        %get3A_287 = vector.shape_cast %get3A_286 : vector<16xi32> to vector<16xi32>
        %swap3A_288 = arith.constant 1 : i32
        %swap3A_289 = arith.index_cast %swap3A_288 : i32 to index
        %swap3A_290 = arith.constant 96 : index
        %swap3A_291 = tpu.vector_load %arg10[%swap3A_289, %swap3A_290] {strides = array<i32>} : memref<2x128xi32, #tpu.memory_space<vmem>>, vector<1x16xi32>,
        %swap3A_292 = vector.shape_cast %swap3A_291 : vector<1x16xi32> to vector<16xi32>
        %swap3A_293 = vector.shape_cast %get3A_287 : vector<16xi32> to vector<1x16xi32>
        tpu.vector_store %arg10[%swap3A_289, %swap3A_290], %swap3A_293 {strides = array<i32>} : memref<2x128xi32, #tpu.memory_space<vmem>>, vector<1x16xi32>,
        %mul3A_294 = arith.constant 128 : i32
        %mul3A_295 = arith.muli %add3A_202, %mul3A_294 : i32
        %add3A_296 = arith.constant 112 : i32
        %add3A_297 = arith.addi %mul3A_295, %add3A_296 : i32
        %get3A_298 = arith.index_cast %add3A_297 : i32 to index
        %get3A_299 = tpu.vector_load %arg9[%get3A_298] {strides = array<i32>} : memref<5120xi32, #tpu.memory_space<vmem>>, vector<16xi32>,
        %get3A_300 = vector.shape_cast %get3A_299 : vector<16xi32> to vector<16xi32>
        %swap3A_301 = arith.constant 1 : i32
        %swap3A_302 = arith.index_cast %swap3A_301 : i32 to index
        %swap3A_303 = arith.constant 112 : index
        %swap3A_304 = tpu.vector_load %arg10[%swap3A_302, %swap3A_303] {strides = array<i32>} : memref<2x128xi32, #tpu.memory_space<vmem>>, vector<1x16xi32>,
        %swap3A_305 = vector.shape_cast %swap3A_304 : vector<1x16xi32> to vector<16xi32>
        %swap3A_306 = vector.shape_cast %get3A_300 : vector<16xi32> to vector<1x16xi32>
        tpu.vector_store %arg10[%swap3A_302, %swap3A_303], %swap3A_306 {strides = array<i32>} : memref<2x128xi32, #tpu.memory_space<vmem>>, vector<1x16xi32>,
        %dma_start3A_307 = arith.constant 1 : i32
        %dma_start3A_308 = arith.constant 0 : i32
        %dma_start3A_309 = tpu.memref_slice %arg10[%dma_start3A_307, %dma_start3A_308] : memref<2x128xi32, #tpu.memory_space<vmem>> -> memref<1x128xi32, #tpu.memory_space<vmem>>
        %dma_start3A_310 = tpu.memref_squeeze %dma_start3A_309 : memref<1x128xi32, #tpu.memory_space<vmem>> -> memref<128xi32, #tpu.memory_space<vmem>>
        %dma_start3A_311 = arith.constant 0 : i32
        %dma_start3A_312 = arith.constant 0 : i32
        %dma_start3A_313 = tpu.memref_slice %arg7[%dma_start3A_311, %dma_start3A_312] : memref<10112x128xf32, #tpu.memory_space<vmem_shared>> -> memref<10112x128xf32, #tpu.memory_space<vmem_shared>>
        tpu.enqueue_indirect_dma source(%arg12 : memref<128x128xf32, #tpu.memory_space<vmem>>) target(%dma_start3A_313 : memref<10112x128xf32, #tpu.memory_space<vmem_shared>>) offsets(%dma_start3A_310 : memref<128xi32, #tpu.memory_space<vmem>>) semaphore(%arg16 : memref<!tpu.dma_semaphore, #tpu.memory_space<semaphore_mem>>) {add = true}
        %add3A_314 = arith.constant 2 : i32
        %add3A_315 = arith.addi %mul3A_79, %add3A_314 : i32
        %add3A_316 = arith.constant 0 : i32
        %add3A_317 = arith.addi %add3A_315, %add3A_316 : i32
        %lt3A = arith.constant 40 : i32
        %lt3A_318 = arith.cmpi slt, %add3A_317, %lt3A : i32
        %convert_element_type3A_319 = arith.extui %lt3A_318 : i1 to i32
        %cond3A_320 = arith.constant 0 : i32
        %cond3A_321 = arith.cmpi ne, %convert_element_type3A_319, %cond3A_320 : i32
        scf.if %cond3A_321 {
          %dma_wait3A_331 = arith.constant 0 : i32
          %dma_wait3A_332 = arith.constant 0 : i32
          %dma_wait3A_333 = tpu.memref_slice %arg10[%dma_wait3A_331, %dma_wait3A_332] : memref<2x128xi32, #tpu.memory_space<vmem>> -> memref<1x128xi32, #tpu.memory_space<vmem>>
          %dma_wait3A_334 = tpu.memref_squeeze %dma_wait3A_333 : memref<1x128xi32, #tpu.memory_space<vmem>> -> memref<128xi32, #tpu.memory_space<vmem>>
          %dma_wait3A_335 = arith.constant 0 : i32
          %dma_wait3A_336 = arith.constant 0 : i32
          %dma_wait3A_337 = tpu.memref_slice %arg7[%dma_wait3A_335, %dma_wait3A_336] : memref<10112x128xf32, #tpu.memory_space<vmem_shared>> -> memref<10112x128xf32, #tpu.memory_space<vmem_shared>>
          tpu.wait_indirect_dma semaphore(%arg15 : memref<!tpu.dma_semaphore, #tpu.memory_space<semaphore_mem>>) src(%arg11 : memref<128x128xf32, #tpu.memory_space<vmem>>) dst(%dma_wait3A_337 : memref<10112x128xf32, #tpu.memory_space<vmem_shared>>)
          %add3A_338 = arith.constant 2 : i32
          %add3A_339 = arith.addi %mul3A_79, %add3A_338 : i32
          %add3A_340 = arith.constant 0 : i32
          %add3A_341 = arith.addi %add3A_339, %add3A_340 : i32
          %mul3A_342 = arith.constant 128 : i32
          %mul3A_343 = arith.muli %add3A_341, %mul3A_342 : i32
          %dma_start3A_344 = tpu.memref_slice %arg8[%mul3A_343] : memref<5120xi32, #tpu.memory_space<vmem>> -> memref<128xi32, #tpu.memory_space<vmem>>
          %dma_start3A_345 = arith.constant 0 : i32
          %dma_start3A_346 = arith.constant 0 : i32
          %dma_start3A_347 = tpu.memref_slice %arg2[%dma_start3A_345, %dma_start3A_346] : memref<10000x128xf32, #tpu.memory_space<hbm>> -> memref<10000x128xf32, #tpu.memory_space<hbm>>
          tpu.enqueue_indirect_dma source(%dma_start3A_347 : memref<10000x128xf32, #tpu.memory_space<hbm>>) target(%arg11 : memref<128x128xf32, #tpu.memory_space<vmem>>) offsets(%dma_start3A_344 : memref<128xi32, #tpu.memory_space<vmem>>) semaphore(%arg13 : memref<!tpu.dma_semaphore, #tpu.memory_space<semaphore_mem>>)
        } else {
        }
        %add3A_322 = arith.constant 2 : i32
        %add3A_323 = arith.addi %mul3A_79, %add3A_322 : i32
        %add3A_324 = arith.constant 1 : i32
        %add3A_325 = arith.addi %add3A_323, %add3A_324 : i32
        %lt3A_326 = arith.constant 40 : i32
        %lt3A_327 = arith.cmpi slt, %add3A_325, %lt3A_326 : i32
        %convert_element_type3A_328 = arith.extui %lt3A_327 : i1 to i32
        %cond3A_329 = arith.constant 0 : i32
        %cond3A_330 = arith.cmpi ne, %convert_element_type3A_328, %cond3A_329 : i32
        scf.if %cond3A_330 {
          %dma_wait3A_331 = arith.constant 1 : i32
          %dma_wait3A_332 = arith.constant 0 : i32
          %dma_wait3A_333 = tpu.memref_slice %arg10[%dma_wait3A_331, %dma_wait3A_332] : memref<2x128xi32, #tpu.memory_space<vmem>> -> memref<1x128xi32, #tpu.memory_space<vmem>>
          %dma_wait3A_334 = tpu.memref_squeeze %dma_wait3A_333 : memref<1x128xi32, #tpu.memory_space<vmem>> -> memref<128xi32, #tpu.memory_space<vmem>>
          %dma_wait3A_335 = arith.constant 0 : i32
          %dma_wait3A_336 = arith.constant 0 : i32
          %dma_wait3A_337 = tpu.memref_slice %arg7[%dma_wait3A_335, %dma_wait3A_336] : memref<10112x128xf32, #tpu.memory_space<vmem_shared>> -> memref<10112x128xf32, #tpu.memory_space<vmem_shared>>
          tpu.wait_indirect_dma semaphore(%arg16 : memref<!tpu.dma_semaphore, #tpu.memory_space<semaphore_mem>>) src(%arg12 : memref<128x128xf32, #tpu.memory_space<vmem>>) dst(%dma_wait3A_337 : memref<10112x128xf32, #tpu.memory_space<vmem_shared>>)
          %add3A_338 = arith.constant 2 : i32
          %add3A_339 = arith.addi %mul3A_79, %add3A_338 : i32
          %add3A_340 = arith.constant 1 : i32
          %add3A_341 = arith.addi %add3A_339, %add3A_340 : i32
          %mul3A_342 = arith.constant 128 : i32
          %mul3A_343 = arith.muli %add3A_341, %mul3A_342 : i32
          %dma_start3A_344 = tpu.memref_slice %arg8[%mul3A_343] : memref<5120xi32, #tpu.memory_space<vmem>> -> memref<128xi32, #tpu.memory_space<vmem>>
          %dma_start3A_345 = arith.constant 0 : i32
          %dma_start3A_346 = arith.constant 0 : i32
          %dma_start3A_347 = tpu.memref_slice %arg2[%dma_start3A_345, %dma_start3A_346] : memref<10000x128xf32, #tpu.memory_space<hbm>> -> memref<10000x128xf32, #tpu.memory_space<hbm>>
          tpu.enqueue_indirect_dma source(%dma_start3A_347 : memref<10000x128xf32, #tpu.memory_space<hbm>>) target(%arg12 : memref<128x128xf32, #tpu.memory_space<vmem>>) offsets(%dma_start3A_344 : memref<128xi32, #tpu.memory_space<vmem>>) semaphore(%arg14 : memref<!tpu.dma_semaphore, #tpu.memory_space<semaphore_mem>>)
        } else {
        }
      }
      %scan3A_63 = arith.constant 20 : i32
      %dma_wait3A = arith.constant 0 : i32
      %dma_wait3A_64 = arith.constant 0 : i32
      %dma_wait3A_65 = tpu.memref_slice %arg10[%dma_wait3A, %dma_wait3A_64] : memref<2x128xi32, #tpu.memory_space<vmem>> -> memref<1x128xi32, #tpu.memory_space<vmem>>
      %dma_wait3A_66 = tpu.memref_squeeze %dma_wait3A_65 : memref<1x128xi32, #tpu.memory_space<vmem>> -> memref<128xi32, #tpu.memory_space<vmem>>
      %dma_wait3A_67 = arith.constant 0 : i32
      %dma_wait3A_68 = arith.constant 0 : i32
      %dma_wait3A_69 = tpu.memref_slice %arg7[%dma_wait3A_67, %dma_wait3A_68] : memref<10112x128xf32, #tpu.memory_space<vmem_shared>> -> memref<10112x128xf32, #tpu.memory_space<vmem_shared>>
      tpu.wait_indirect_dma semaphore(%arg15 : memref<!tpu.dma_semaphore, #tpu.memory_space<semaphore_mem>>) src(%arg11 : memref<128x128xf32, #tpu.memory_space<vmem>>) dst(%dma_wait3A_69 : memref<10112x128xf32, #tpu.memory_space<vmem_shared>>)
      %dma_wait3A_70 = arith.constant 1 : i32
      %dma_wait3A_71 = arith.constant 0 : i32
      %dma_wait3A_72 = tpu.memref_slice %arg10[%dma_wait3A_70, %dma_wait3A_71] : memref<2x128xi32, #tpu.memory_space<vmem>> -> memref<1x128xi32, #tpu.memory_space<vmem>>
      %dma_wait3A_73 = tpu.memref_squeeze %dma_wait3A_72 : memref<1x128xi32, #tpu.memory_space<vmem>> -> memref<128xi32, #tpu.memory_space<vmem>>
      %dma_wait3A_74 = arith.constant 0 : i32
      %dma_wait3A_75 = arith.constant 0 : i32
      %dma_wait3A_76 = tpu.memref_slice %arg7[%dma_wait3A_74, %dma_wait3A_75] : memref<10112x128xf32, #tpu.memory_space<vmem_shared>> -> memref<10112x128xf32, #tpu.memory_space<vmem_shared>>
      tpu.wait_indirect_dma semaphore(%arg16 : memref<!tpu.dma_semaphore, #tpu.memory_space<semaphore_mem>>) src(%arg12 : memref<128x128xf32, #tpu.memory_space<vmem>>) dst(%dma_wait3A_76 : memref<10112x128xf32, #tpu.memory_space<vmem_shared>>)
    }
    %barrier3A_35 = arith.constant 0 : index
    tpu.barrier barrier_id(%barrier3A_35)
    %eq3A_36 = arith.constant 0 : i32
    %eq3A_37 = arith.cmpi eq, %arg0, %eq3A_36 : i32
    %convert_element_type3A_38 = arith.extui %eq3A_37 : i1 to i32
    %cond3A_39 = arith.constant 0 : i32
    %cond3A_40 = arith.cmpi ne, %convert_element_type3A_38, %cond3A_39 : i32
    scf.if %cond3A_40 {
      "tpu.region"() ({
        %run_scoped3A = tpu.sem_alloc : memref<!tpu.dma_semaphore, #tpu.memory_space<semaphore_mem>>
        %dma_start3A = arith.constant 0 : i32
        %dma_start3A_46 = tpu.memref_slice %arg5[%mul3A_7, %dma_start3A] : memref<10112x128xf32, #tpu.memory_space<hbm>> -> memref<632x128xf32, #tpu.memory_space<hbm>>
        %dma_start3A_47 = arith.constant 0 : i32
        %dma_start3A_48 = tpu.memref_slice %arg7[%mul3A_7, %dma_start3A_47] : memref<10112x128xf32, #tpu.memory_space<vmem_shared>> -> memref<632x128xf32, #tpu.memory_space<vmem_shared>>
        tpu.enqueue_dma source(%dma_start3A_48 : memref<632x128xf32, #tpu.memory_space<vmem_shared>>) target(%dma_start3A_46 : memref<632x128xf32, #tpu.memory_space<hbm>>) target_semaphore(%run_scoped3A : memref<!tpu.dma_semaphore, #tpu.memory_space<semaphore_mem>>)
        %dma_wait3A = arith.constant 0 : i32
        %dma_wait3A_49 = tpu.memref_slice %arg5[%mul3A_7, %dma_wait3A] : memref<10112x128xf32, #tpu.memory_space<hbm>> -> memref<632x128xf32, #tpu.memory_space<hbm>>
        %dma_wait3A_50 = arith.constant 0 : i32
        %dma_wait3A_51 = tpu.memref_slice %arg7[%mul3A_7, %dma_wait3A_50] : memref<10112x128xf32, #tpu.memory_space<vmem_shared>> -> memref<632x128xf32, #tpu.memory_space<vmem_shared>>
        tpu.wait_dma2 semaphore(%run_scoped3A : memref<!tpu.dma_semaphore, #tpu.memory_space<semaphore_mem>>) src(%dma_wait3A_51 : memref<632x128xf32, #tpu.memory_space<vmem_shared>>) dst(%dma_wait3A_49 : memref<632x128xf32, #tpu.memory_space<hbm>>)
        tpu.yield
      }) : () -> ()
    } else {
    }
    %ne3A_41 = arith.constant 0 : i32
    %ne3A_42 = arith.cmpi ne, %arg0, %ne3A_41 : i32
    %convert_element_type3A_43 = arith.extui %ne3A_42 : i1 to i32
    %cond3A_44 = arith.constant 0 : i32
    %cond3A_45 = arith.cmpi ne, %convert_element_type3A_43, %cond3A_44 : i32
    scf.if %cond3A_45 {
      "tpu.region"() ({
        %run_scoped3A = tpu.sem_alloc : memref<!tpu.dma_semaphore, #tpu.memory_space<semaphore_mem>>
        %dma_start3A = arith.constant 0 : i32
        %dma_start3A_46 = tpu.memref_slice %arg6[%mul3A_7, %dma_start3A] : memref<10112x128xf32, #tpu.memory_space<hbm>> -> memref<632x128xf32, #tpu.memory_space<hbm>>
        %dma_start3A_47 = arith.constant 0 : i32
        %dma_start3A_48 = tpu.memref_slice %arg7[%mul3A_7, %dma_start3A_47] : memref<10112x128xf32, #tpu.memory_space<vmem_shared>> -> memref<632x128xf32, #tpu.memory_space<vmem_shared>>
        tpu.enqueue_dma source(%dma_start3A_48 : memref<632x128xf32, #tpu.memory_space<vmem_shared>>) target(%dma_start3A_46 : memref<632x128xf32, #tpu.memory_space<hbm>>) target_semaphore(%run_scoped3A : memref<!tpu.dma_semaphore, #tpu.memory_space<semaphore_mem>>)
        %dma_wait3A = arith.constant 0 : i32
        %dma_wait3A_49 = tpu.memref_slice %arg6[%mul3A_7, %dma_wait3A] : memref<10112x128xf32, #tpu.memory_space<hbm>> -> memref<632x128xf32, #tpu.memory_space<hbm>>
        %dma_wait3A_50 = arith.constant 0 : i32
        %dma_wait3A_51 = tpu.memref_slice %arg7[%mul3A_7, %dma_wait3A_50] : memref<10112x128xf32, #tpu.memory_space<vmem_shared>> -> memref<632x128xf32, #tpu.memory_space<vmem_shared>>
        tpu.wait_dma2 semaphore(%run_scoped3A : memref<!tpu.dma_semaphore, #tpu.memory_space<semaphore_mem>>) src(%dma_wait3A_51 : memref<632x128xf32, #tpu.memory_space<vmem_shared>>) dst(%dma_wait3A_49 : memref<632x128xf32, #tpu.memory_space<hbm>>)
        tpu.yield
      }) : () -> ()
    } else {
    }
    return
  }
}

module attributes {stable_mosaic.version = 14 : i64} {
  func.func @_mlp_bn_body(%arg0: memref<10112x128xf32, #tpu.memory_space<vmem>>, %arg1: memref<10112x128xf32, #tpu.memory_space<vmem>>, %arg2: memref<128x32xf32, #tpu.memory_space<vmem>>, %arg3: memref<1x32xf32, #tpu.memory_space<vmem>>, %arg4: memref<32x64xf32, #tpu.memory_space<vmem>>, %arg5: memref<1x64xf32, #tpu.memory_space<vmem>>, %arg6: memref<64x128xf32, #tpu.memory_space<vmem>>, %arg7: memref<1x128xf32, #tpu.memory_space<vmem>>, %arg8: memref<1x128xf32, #tpu.memory_space<vmem>>, %arg9: memref<1x128xf32, #tpu.memory_space<vmem>>, %arg10: memref<10000x128xf32, #tpu.memory_space<vmem>>) attributes {dimension_semantics = [], scalar_prefetch = 0 : i64, scratch_operands = 0 : i64, tpu.core_type = #tpu.core_type<tc>} {
    %get3A = arith.constant 0 : index
    %get3A_0 = arith.constant 0 : index
    %get3A_1 = vector.load %arg0[%get3A, %get3A_0] : memref<10112x128xf32, #tpu.memory_space<vmem>>, vector<10000x128xf32>
    %get3A_2 = arith.constant 0 : index
    %get3A_3 = arith.constant 0 : index
    %get3A_4 = vector.load %arg1[%get3A_2, %get3A_3] : memref<10112x128xf32, #tpu.memory_space<vmem>>, vector<10000x128xf32>
    %add3A = arith.addf %get3A_1, %get3A_4 : vector<10000x128xf32>
    %get3A_5 = arith.constant 0 : index
    %get3A_6 = arith.constant 0 : index
    %get3A_7 = vector.load %arg2[%get3A_5, %get3A_6] : memref<128x32xf32, #tpu.memory_space<vmem>>, vector<128x32xf32>
    %dot_general3A = arith.constant dense<0.000000e+00> : vector<10000x32xf32>
    %dot_general3A_8 = tpu.matmul %add3A, %get3A_7, %dot_general3A {dimension_numbers = #tpu.dot_dimension_numbers<[1], [0], [0], [1], [0, 0, 1, 1], [], []>, transpose_lhs_hint = false} : vector<10000x128xf32>, vector<128x32xf32>, vector<10000x32xf32> -> vector<10000x32xf32>
    %get3A_9 = arith.constant 0 : index
    %get3A_10 = arith.constant 0 : index
    %get3A_11 = vector.load %arg3[%get3A_9, %get3A_10] : memref<1x32xf32, #tpu.memory_space<vmem>>, vector<1x32xf32>
    %add3A_12 = vector.broadcast %get3A_11 : vector<1x32xf32> to vector<10000x32xf32>
    %add3A_13 = arith.addf %dot_general3A_8, %add3A_12 : vector<10000x32xf32>
    %logistic3A = arith.negf %add3A_13 : vector<10000x32xf32>
    %logistic3A_14 = math.exp %logistic3A : vector<10000x32xf32>
    %logistic3A_15 = arith.constant 1.000000e+00 : f32
    %logistic3A_16 = vector.broadcast %logistic3A_15 : f32 to vector<10000x32xf32>
    %logistic3A_17 = arith.addf %logistic3A_16, %logistic3A_14 : vector<10000x32xf32>
    %logistic3A_18 = arith.divf %logistic3A_16, %logistic3A_17 : vector<10000x32xf32>
    %get3A_19 = arith.constant 0 : index
    %get3A_20 = arith.constant 0 : index
    %get3A_21 = vector.load %arg4[%get3A_19, %get3A_20] : memref<32x64xf32, #tpu.memory_space<vmem>>, vector<32x64xf32>
    %dot_general3A_22 = arith.constant dense<0.000000e+00> : vector<10000x64xf32>
    %dot_general3A_23 = tpu.matmul %logistic3A_18, %get3A_21, %dot_general3A_22 {dimension_numbers = #tpu.dot_dimension_numbers<[1], [0], [0], [1], [0, 0, 1, 1], [], []>, transpose_lhs_hint = false} : vector<10000x32xf32>, vector<32x64xf32>, vector<10000x64xf32> -> vector<10000x64xf32>
    %get3A_24 = arith.constant 0 : index
    %get3A_25 = arith.constant 0 : index
    %get3A_26 = vector.load %arg5[%get3A_24, %get3A_25] : memref<1x64xf32, #tpu.memory_space<vmem>>, vector<1x64xf32>
    %add3A_27 = vector.broadcast %get3A_26 : vector<1x64xf32> to vector<10000x64xf32>
    %add3A_28 = arith.addf %dot_general3A_23, %add3A_27 : vector<10000x64xf32>
    %logistic3A_29 = arith.negf %add3A_28 : vector<10000x64xf32>
    %logistic3A_30 = math.exp %logistic3A_29 : vector<10000x64xf32>
    %logistic3A_31 = arith.constant 1.000000e+00 : f32
    %logistic3A_32 = vector.broadcast %logistic3A_31 : f32 to vector<10000x64xf32>
    %logistic3A_33 = arith.addf %logistic3A_32, %logistic3A_30 : vector<10000x64xf32>
    %logistic3A_34 = arith.divf %logistic3A_32, %logistic3A_33 : vector<10000x64xf32>
    %get3A_35 = arith.constant 0 : index
    %get3A_36 = arith.constant 0 : index
    %get3A_37 = vector.load %arg6[%get3A_35, %get3A_36] : memref<64x128xf32, #tpu.memory_space<vmem>>, vector<64x128xf32>
    %dot_general3A_38 = arith.constant dense<0.000000e+00> : vector<10000x128xf32>
    %dot_general3A_39 = tpu.matmul %logistic3A_34, %get3A_37, %dot_general3A_38 {dimension_numbers = #tpu.dot_dimension_numbers<[1], [0], [0], [1], [0, 0, 1, 1], [], []>, transpose_lhs_hint = false} : vector<10000x64xf32>, vector<64x128xf32>, vector<10000x128xf32> -> vector<10000x128xf32>
    %get3A_40 = arith.constant 0 : index
    %get3A_41 = arith.constant 0 : index
    %get3A_42 = vector.load %arg7[%get3A_40, %get3A_41] : memref<1x128xf32, #tpu.memory_space<vmem>>, vector<1x128xf32>
    %add3A_43 = vector.broadcast %get3A_42 : vector<1x128xf32> to vector<10000x128xf32>
    %add3A_44 = arith.addf %dot_general3A_39, %add3A_43 : vector<10000x128xf32>
    %ge3A = arith.constant 0.000000e+00 : f32
    %ge3A_45 = vector.broadcast %ge3A : f32 to vector<10000x128xf32>
    %ge3A_46 = arith.cmpf oge, %add3A_44, %ge3A_45 : vector<10000x128xf32>
    %mul3A = arith.constant 0.00999999977 : f32
    %mul3A_47 = vector.broadcast %mul3A : f32 to vector<10000x128xf32>
    %mul3A_48 = arith.mulf %mul3A_47, %add3A_44 : vector<10000x128xf32>
    %select_n3A = arith.select %ge3A_46, %add3A_44, %mul3A_48 : vector<10000x128xi1>, vector<10000x128xf32>
    %reduce_sum3A = arith.constant dense<0.000000e+00> : vector<128xf32>
    %reduce_sum3A_49 = vector.multi_reduction <add>, %select_n3A, %reduce_sum3A [0] : vector<10000x128xf32> to vector<128xf32>
    %broadcast_in_dim3A = vector.shape_cast %reduce_sum3A_49 : vector<128xf32> to vector<1x128xf32>
    %div3A = arith.constant 1.000000e+04 : f32
    %div3A_50 = vector.broadcast %div3A : f32 to vector<1x128xf32>
    %div3A_51 = arith.divf %broadcast_in_dim3A, %div3A_50 : vector<1x128xf32>
    %sub3A = vector.broadcast %div3A_51 : vector<1x128xf32> to vector<10000x128xf32>
    %sub3A_52 = arith.subf %select_n3A, %sub3A : vector<10000x128xf32>
    %mul3A_53 = arith.mulf %sub3A_52, %sub3A_52 : vector<10000x128xf32>
    %reduce_sum3A_54 = arith.constant dense<0.000000e+00> : vector<128xf32>
    %reduce_sum3A_55 = vector.multi_reduction <add>, %mul3A_53, %reduce_sum3A_54 [0] : vector<10000x128xf32> to vector<128xf32>
    %broadcast_in_dim3A_56 = vector.shape_cast %reduce_sum3A_55 : vector<128xf32> to vector<1x128xf32>
    %div3A_57 = arith.constant 1.000000e+04 : f32
    %div3A_58 = vector.broadcast %div3A_57 : f32 to vector<1x128xf32>
    %div3A_59 = arith.divf %broadcast_in_dim3A_56, %div3A_58 : vector<1x128xf32>
    %add3A_60 = arith.constant 9.99999974E-6 : f32
    %add3A_61 = vector.broadcast %add3A_60 : f32 to vector<1x128xf32>
    %add3A_62 = arith.addf %div3A_59, %add3A_61 : vector<1x128xf32>
    %rsqrt3A = math.rsqrt %add3A_62 : vector<1x128xf32>
    %mul3A_63 = vector.broadcast %rsqrt3A : vector<1x128xf32> to vector<10000x128xf32>
    %mul3A_64 = arith.mulf %sub3A_52, %mul3A_63 : vector<10000x128xf32>
    %get3A_65 = arith.constant 0 : index
    %get3A_66 = arith.constant 0 : index
    %get3A_67 = vector.load %arg8[%get3A_65, %get3A_66] : memref<1x128xf32, #tpu.memory_space<vmem>>, vector<1x128xf32>
    %mul3A_68 = vector.broadcast %get3A_67 : vector<1x128xf32> to vector<10000x128xf32>
    %mul3A_69 = arith.mulf %mul3A_64, %mul3A_68 : vector<10000x128xf32>
    %get3A_70 = arith.constant 0 : index
    %get3A_71 = arith.constant 0 : index
    %get3A_72 = vector.load %arg9[%get3A_70, %get3A_71] : memref<1x128xf32, #tpu.memory_space<vmem>>, vector<1x128xf32>
    %add3A_73 = vector.broadcast %get3A_72 : vector<1x128xf32> to vector<10000x128xf32>
    %add3A_74 = arith.addf %mul3A_69, %add3A_73 : vector<10000x128xf32>
    %swap3A = arith.constant 0 : index
    %swap3A_75 = arith.constant 0 : index
    %swap3A_76 = vector.load %arg10[%swap3A, %swap3A_75] : memref<10000x128xf32, #tpu.memory_space<vmem>>, vector<10000x128xf32>
    tpu.vector_store %arg10[%swap3A, %swap3A_75], %add3A_74 {strides = array<i32>} : memref<10000x128xf32, #tpu.memory_space<vmem>>, vector<10000x128xf32>,
    return
  }
}

</mosaic_0001>

<sc_bundles>
// kernel: kernel.4.cloned.1.call-start
scs
__scs_entry_jumppad:
0x0: {  	(pc) =	sbr.rel $0x88, $3  }
0x1: {  	(tag) =	ssettag $0x0;
	lr =	simm.s32 $0x1  }
0x2: {  	[smem:$0x3F97] =	sst lr;
	_ =	strace $0xD0000000  }
0x3: {  	_ = 	snop  }
0x4: {  	_ = 	snop  }
0x5: {  	_ = 	snop  }
0x6: {  	_ = 	snop  }
0x7: {  	_ = 	snop  }
__scs_overlays_trampoline_lowered:
0x8: {  	[smem:$0x3FA6] =	sst s0  }
0x9: {  	[smem:$0x3FA7] =	sst s1  }
0xa: {  	[smem:$0x3FA8] =	sst s2  }
0xb: {  	[smem:$0x3FA9] =	sst s3  }
0xc: {  	[smem:$0x3FAA] =	sst s4  }
0xd: {  	[smem:$0x3FAB] =	sst s5  }
0xe: {  	[smem:$0x3FAC] =	sst s6  }
0xf: {  	[smem:$0x3FAD] =	sst s7  }
0x10: {  	[smem:$0x3FAE] =	sst s8  }
0x11: {  	[smem:$0x3FAF] =	sst s9;
	s0 =	simm.s32 @!p0 $0x0  }
0x12: {  	s1 =	sld [smem:$0x3F95];
	s0 =	simm.s32 @p0 $0x1  }
0x13: {  	[smem:$0x3FB0] =	sst s0;
	s0 =	simm.s32 @!p1 $0x0  }
0x14: {  	s2 =	sld [smem:$0x3F94];
	s0 =	simm.s32 @p1 $0x1  }
0x15: {  	[smem:$0x3FB1] =	sst s0;
	s0 =	simm.s32 @!p2 $0x0  }
0x16: {  	s3 =	sld [smem:$0x3FDB];
	s0 =	simm.s32 @p2 $0x1  }
0x17: {  	s4 =	simm.s32 $0x1BF5;
	[smem:$0x3FB3] =	sst s0  }
0x18: {  	s0 =	sld [smem:$0x3F96];
	_ =	swait.ge [sflag:s4], $0x0  }
0x19: {  	s7 =	sld [smem:$0x3F97]  }
0x1a: {  	s8 =	sadd.s32 $0xFFFFE003, lr  }
0x1b: {  	s9 =	sadd.s32 $0xFFFFFEF7, lr;
	s5 =	simm.s32 $0xFFFFFFFF;
	p2 =	slt.u32 s8, $0xFFFFF086  }
0x1c: {  	p1 =	slt.u32 s9, $0xF7A;
	s5 =	simm.s32 @!p2 $0x0  }
0x1d: {  	s5 =	simm.s32 @p1 $0x1;
	p0 =	seq.s32 s7, s2  }
0x1e: {  	s7 =	smul.u32 @!p0 $0xF7A, s2;
	p2 =	seq.s32 @!p0 s5, $0x0  }
0x1f: {  	s9 =	smul.u32 $0xF7A, s1;
	s8 =	simm.s32 @!p0 $0x1BF5;
	p2 =	por !p2, p0  }
0x20: {  	[sflag:s8] =	ssyncset.s32 @!p0 $0xFFFFF086;
	s6 =	sadd.s32 @!p0 s3, s7;
	s7 =	simm.s32 @!p0 $0x108  }
0x21: {  	s3 =	sadd.s32 s3, s9;
	s6 =	sadd.s32 @!p0 $0x88, s6;
	s7 =	simm.s32 @p2 $0x1082  }
0x22: {  	[simem:s7], [sflag:s8] =	dma.local @!p0 [hbm:s6], $0xF7A  }
0x23: {  	s9 =	sor.u32 $0xD0000000, s2;
	s6 =	simm.s32 $0x108;
	_ =	swait.ge @!p0 [sflag:s8], $0x0  }
0x24: {  	s3 =	sadd.s32 $0x88, s3;
	s6 =	simm.s32 @!p1 $0x1082;
	[sflag:s4] =	ssyncset.s32 $0xFFFFF086  }
0x25: {  	[simem:s6], [sflag:s4] =	dma.local [hbm:s3], $0xF7A  }
0x26: {  	[smem:$0x3F97] =	sst s1;
	(tag) =	ssettag s2;
	_ =	strace s9  }
0x27: {  	s1 =	sld [smem:$0x3FA7]  }
0x28: {  	s2 =	sld [smem:$0x3FA8]  }
0x29: {  	s4 =	sld [smem:$0x3FAA]  }
0x2a: {  	p0 =	seq.s32 s5, $0x0;
	s5 =	sld [smem:$0x3FAB]  }
0x2b: {  	s6 =	sld [smem:$0x3FAC]  }
0x2c: {  	s7 =	sld [smem:$0x3FAD]  }
0x2d: {  	s3 =	simm.s32 $0x108;
	s8 =	sld [smem:$0x3FAE]  }
0x2e: {  	s3 =	simm.s32 @!p0 $0x1082;
	s9 =	sld [smem:$0x3FAF]  }
0x2f: {  	lr =	sadd.s32 s0, s3;
	s0 =	sld [smem:$0x3FA6]  }
0x30: {  	s3 =	sld [smem:$0x3FA9]  }
0x31: {  	[smem:$0x3FB2] =	sst s10  }
0x32: {  	s10 =	sld [smem:$0x3FB0];
	_ =	sdelay $0x3  }
0x33: {  	p0 =	seq.s32 s10, $0x1;
	s10 =	sld [smem:$0x3FB2];
	_ =	sdelay $0x3  }
0x34: {  	[smem:$0x3FB2] =	sst s10  }
0x35: {  	s10 =	sld [smem:$0x3FB1];
	_ =	sdelay $0x3  }
0x36: {  	p1 =	seq.s32 s10, $0x1;
	s10 =	sld [smem:$0x3FB2];
	_ =	sdelay $0x3  }
0x37: {  	[smem:$0x3FB2] =	sst s10  }
0x38: {  	s10 =	sld [smem:$0x3FB3]  }
0x39: {  	_ = 	snop;
	(pc) =	sbr.ind lr, $3  }
0x3a: {  	_ = 	snop  }
0x3b: {  	_ = 	snop  }
0x3c: {  	p2 =	seq.s32 s10, $0x1;
	s10 =	sld [smem:$0x3FB2]  }
0x3d: {  	_ =	shalt  }
0x3e: {  	_ =	shalt  }
0x3f: {  	_ =	shalt  }
0x40: {  	_ =	shalt  }
0x41: {  	_ =	shalt  }
0x42: {  	_ =	shalt  }
0x43: {  	_ =	shalt  }
0x44: {  	_ =	shalt  }
0x45: {  	_ =	shalt  }
0x46: {  	_ =	shalt  }
0x47: {  	_ =	shalt  }
0x48: {  	_ =	shalt  }
0x49: {  	_ =	shalt  }
0x4a: {  	_ =	shalt  }
0x4b: {  	_ =	shalt  }
0x4c: {  	_ =	shalt  }
0x4d: {  	_ =	shalt  }
0x4e: {  	_ =	shalt  }
0x4f: {  	_ =	shalt  }
0x50: {  	_ =	shalt  }
0x51: {  	_ =	shalt  }
0x52: {  	_ =	shalt  }
0x53: {  	_ =	shalt  }
0x54: {  	_ =	shalt  }
0x55: {  	_ =	shalt  }
0x56: {  	_ =	shalt  }
0x57: {  	_ =	shalt  }
0x58: {  	_ =	shalt  }
0x59: {  	_ =	shalt  }
0x5a: {  	_ =	shalt  }
0x5b: {  	_ =	shalt  }
0x5c: {  	_ =	shalt  }
0x5d: {  	_ =	shalt  }
0x5e: {  	_ =	shalt  }
0x5f: {  	_ =	shalt  }
0x60: {  	_ =	shalt  }
0x61: {  	_ =	shalt  }
0x62: {  	_ =	shalt  }
0x63: {  	_ =	shalt  }
0x64: {  	_ =	shalt  }
0x65: {  	_ =	shalt  }
0x66: {  	_ =	shalt  }
0x67: {  	_ =	shalt  }
0x68: {  	_ =	shalt  }
0x69: {  	_ =	shalt  }
0x6a: {  	_ =	shalt  }
0x6b: {  	_ =	shalt  }
0x6c: {  	_ =	shalt  }
0x6d: {  	_ =	shalt  }
0x6e: {  	_ =	shalt  }
0x6f: {  	_ =	shalt  }
0x70: {  	_ =	shalt  }
0x71: {  	_ =	shalt  }
0x72: {  	_ =	shalt  }
0x73: {  	_ =	shalt  }
0x74: {  	_ =	shalt  }
0x75: {  	_ =	shalt  }
0x76: {  	_ =	shalt  }
0x77: {  	_ =	shalt  }
0x78: {  	_ =	shalt  }
0x79: {  	_ =	shalt  }
0x7a: {  	_ =	shalt  }
0x7b: {  	_ =	shalt  }
0x7c: {  	_ =	shalt  }
0x7d: {  	_ =	shalt  }
0x7e: {  	_ =	shalt  }
0x7f: {  	_ =	shalt  }
0x80: {  	_ =	shalt  }
0x81: {  	_ =	shalt  }
0x82: {  	_ =	shalt  }
0x83: {  	_ =	shalt  }
0x84: {  	_ =	shalt  }
0x85: {  	_ =	shalt  }
0x86: {  	_ =	shalt  }
0x87: {  	_ =	shalt  }
.Lfunc_end0:
.L_simem_size_0:
called_computation_lowered:
.L_overlay_start_0:
0x88: {  	s2 =	sld [smem:$0x3FD9]  }
0x89: {  	s3 =	sld [smem:$0x3FFE];
	_ =	sdelay $0x1  }
0x8a: {  	s1 =	srdreg.scid  }
0x8b: {  	s0 =	sand.u32 $0x1, s1  }
0x8c: {  	s14 =	sshll.u32 s0, $0xA;
	s2 =	sadd.s32 s3, s2  }
0x8d: {  	s2 =	sadd.s32 s2, s14  }
0x8e: {  	[smem:$0x3FBE] =	sst s2  }
0x8f: {  	_ = 	snop  }
0x90: {  	s2 =	sld [smem:$0x3FD0];
	_ =	sdelay $0x2  }
0x91: {  	s4 =	simm.s32 $0xA;
	s5 =	simm.s32 $0x10;
	s15 =	sld [smem:$0x3FC9]  }
0x92: {  	[smem:s5], [sflag:s4] =	dma.local [hbm:s2], $0x1  }
0x93: {  	_ =	swait.eq [sflag:s4], $0x1  }
0x94: {  	[sflag:s4] =	ssyncset.done $0x0  }
0x95: {  	s16 =	sld [smem:$0x10];
	[sflag:s4] =	ssyncadd.s32 $0xFFFFFFFF  }
0x96: {  	s17 =	sld [smem:$0x11];
	(tm) =	ssettm $0x1  }
0x97: {  	s18 =	sld [smem:$0x3FFB];
	_ =	sdelay $0x3  }
0x98: {  	_ =	strace s18  }
0x99: {  	s5 =	sld [smem:$0x3FFC];
	_ =	sdelay $0x3  }
0x9a: {  	_ =	strace s5  }
0x9b: {  	s5 =	sld [smem:$0x3FFD];
	_ =	sdelay $0x3  }
0x9c: {  	_ =	strace s5  }
0x9d: {  	_ =	strace $0x8FFFFFFF  }
0x9e: {  	s19 =	sld [smem:$0x3FDB];
	_ =	sdelay $0x1  }
0x9f: {  	s6 =	simm.s32 $_scs_section_size  }
0xa0: {  	s7 =	simm.s32 $_size__tile_overlayer_lowered;
	s8 =	simm.s32 $_tile_overlayer_lowered  }
0xa1: {  	s22 =	simm.s32 $0x1BFF;
	s21 =	sshll.u32 s8, $0x1;
	s5 =	sadd.s32 s6, s19  }
0xa2: {  	s9 =	simm.s32 $0x0;
	s20 =	sshll.u32 s7, $0x1;
	s7 =	sadd.s32 s21, s5  }
0xa3: {  	[timem:s9], [sflag:s22] =	dma.local [hbm:s7], s20  }
0xa4: {  	_ =	swait.ge [sflag:s22], s20  }
0xa5: {  	s6 =	ssub.s32 $0x0, s20;
	[sflag:s22] =	ssyncset.done $0x0  }
0xa6: {  	[sflag:s22] =	ssyncadd.s32 s6;
	_ =	sdelay $0x1  }
0xa7: {  	s23 =	simm.s32 $0x1B8B  }
0xa8: {  	_ =	swait.ge [sflag:s23], $0x1  }
0xa9: {  	[sflag:s23] =	ssyncset.done $0x0  }
0xaa: {  	s25 =	simm.s32 $0x1B8E;
	s24 =	sld [smem:$0x3FFE];
	[sflag:s23] =	ssyncadd.s32 $0xFFFFFFFF  }
0xab: {  	s26 =	simm.s32 $execute0_lowered;
	[smem:$0x3FD2] =	sst s25  }
0xac: {  	s7 =	sshll.u32 s26, $0x1;
	_ =	strace $0x80000046;
	[dreg:$0x1] =	wrdreg $0xFFFFFFFF  }
0xad: {  	s28 =	simm.s32 $_size_execute0_lowered;
	s5 =	sadd.s32 s5, s7;
	[dreg:$0x0] =	wrdreg $0x0  }
0xae: {  	s7 =	sshll.u32 s28, $0x1;
	[dreg:$0x2] =	wrdreg s5  }
0xaf: {  	[dreg:$0x3] =	wrdreg s7  }
0xb0: {  	[dreg:$0x4] =	wrdreg $0xC0  }
0xb1: {  	_ =	task [dreg:s9], $0x5FFFF  }
0xb2: {  	[dreg:$0x1] =	wrdreg $0xFFFFFFFF  }
0xb3: {  	[dreg:$0x0] =	wrdreg $0x60  }
0xb4: {  	[dreg:$0x2] =	wrdreg s15  }
0xb5: {  	[dreg:$0x3] =	wrdreg s16  }
0xb6: {  	[dreg:$0x4] =	wrdreg s17  }
0xb7: {  	[dreg:$0x5] =	wrdreg s24  }
0xb8: {  	[dreg:$0x6] =	wrdreg $0x0  }
0xb9: {  	[dreg:$0x7] =	wrdreg $0x9  }
0xba: {  	_ =	task.clear_ibuf [dreg:s9], $0x8FFFF;
	_ =	strace $0x90000046  }
0xbb: {  	s29 =	simm.s32 $0x9;
	_ =	strace $0x80000048  }
0xbc: {  	_ =	swait.ge [sflag:s29], $0x1  }
0xbd: {  	[sflag:s29] =	ssyncadd.s32 $0xFFFFFFFF  }
0xbe: {  	_ =	strace $0x90000048  }
0xbf: {  	_ =	sfence  }
0xc0: {  	s30 =	sld [smem:$0x0];
	_ =	sdelay $0x2  }
0xc1: {  	s31 =	sshll.u32 s1, $0xD;
	s1 =	sshrl.u32 s1, $0x2  }
0xc2: {  	s3 =	sand.u32 $0x4000, s31;
	s1 =	sadd.s32 s1, s30  }
0xc3: {  	s0 =	sor.u32 s3, s0;
	s1 =	sshll.u32 s1, $0x11  }
0xc4: {  	s0 =	sor.u32 s1, s0  }
0xc5: {  	s0 =	sadd.s32 $0x8F2B, s0  }
0xc6: {  	[sflag:s0] =	ssyncadd.remote.s32 $0x1  }
0xc7: {  	_ =	sfence.sel $0xFFFF  }
0xc8: {  	[dreg:$0x0] =	wrdreg $0xFFFFFFFF;
	(pc) =	sbr.abs _section_cstart, $3  }
0xc9: {  	[dreg:$0x1] =	wrdreg $0xFFFFFFFF  }
0xca: {  	_ =	task.clear_ibuf [dreg:s9], $0x2FFFF;
	_ =	strace $0x9FFFFFFF  }
0xcb: {  	(tm) =	ssettm $0x7FFFFFFF  }
tec
execute0_lowered:
.L_overlay_start_1:
0x0: {  	(tag) =	ssettag $0x1  }
0x1: {  	s1 =	rddreg [dreg:$0x0]  }
0x2: {  	s2 =	rddreg [dreg:$0x1]  }
0x3: {  	s0 =	rddreg [dreg:$0x3]  }
0x4: {  	s4 =	rddreg [dreg:$0x4];
	s5 =	simm.s32 $0x0  }
0x5: {  	s3 =	srdreg.scid;
	s14 =	stileid.u32;
	s21 =	simm.s32 $0x80  }
0x6: {  	s22 =	simm.s32 $0x100;
	s28 =	simm.s32 $0x13C80;
	s29 =	simm.s32 $0x1A500  }
0x7: {  	s30 =	simm.s32 $0x1;
	s31 =	simm.s32 $0x16400;
	[smem:$0x7FF] =	sst s5  }
0x8: {  	s3 =	sand.u32 $0x1, s3;
	s6 =	sadd.s32 $0x1E00, s0;
	s9 =	sshll.u32 s14, $0x2  }
0x9: {  	s0 =	sadd.s32 $0x29600, s0;
	p0 =	sne.s32 s14, $0xF;
	s23 =	smul.u32 $0x4F000, s14  }
0xa: {  	p2 =	seq.s32 s14, $0xF;
	s25 =	smul.u32 $0x2780, s14;
	s26 =	sadd.s32 $0x25080, s1  }
0xb: {  	_ =	strace $0x80000047;
	s7 =	ssub.s32 $0x2, s3;
	s10 =	sshll.u32 s3, $0x1  }
0xc: {  	p1 =	seq.s32 s3, $0x0;
	[dreg:$0x6] =	wrdreg s26;
	s26 =	simm.s32 $0x16500  }
0xd: {  	s8 =	sshrl.u32 s7, $0x1;
	p0 =	por !p1, !p0;
	p2 =	por !p1, !p2  }
0xe: {  	s24 =	sshrl.u32 s23, $0x2;
	s0 =	smov.u32 @p1 s6;
	s12 =	sadd.s32 s1, s25  }
0xf: {  	s23 =	simm.s32 $0x13C00;
	s6 =	simm.s32 $0x16480;
	s11 =	ssub.s32 s7, s8  }
0x10: {  	s7 =	sor.u32 s10, s9;
	p0 =	por !p0, !p0;
	p2 =	por !p2, !p2  }
0x11: {  	s10 =	sadd.s32 $0x138800, s4;
	[dreg:$0x7] =	wrdreg s12;
	s12 =	sadd.s32 $0x10, s2  }
0x12: {  	s0 =	sadd.s32 s0, s25;
	s25 =	simm.s32 $0x15000;
	s9 =	sxor.u32 $0x3F, s7  }
0x13: {  	p1 =	por p2, p0;
	s11 =	smax.u32 s11, $0x1;
	[dreg:$0x9] =	wrdreg s0  }
0x14: {  	s8 =	smin.u32 s9, $0x2;
	s9 =	sadd.s32 s24, s4;
	p1 =	seq.s32 @!p1 s3, $0x0  }
0x15: {  	s3 =	sadd.s32 $0x128400, s4;
	[dreg:$0x8] =	wrdreg s11;
	p1 =	por @!p0 p1, p2  }
0x16: {  	s24 =	simm.s32 $0x5;
	p2 =	por !p2, p0;
	p1 =	por p1, p0  }
0x17: {  	s20 =	sshrl.u32 @p0 s9, $0x3;
	s17 =	sshrl.u32 @!p2 s3, $0x3;
	s13 =	sshll.u32 @!p1 s14, $0x6  }
0x18: {  	s18 =	sshrl.u32 @!p2 s10, $0x3;
	s3 =	simm.s32 $0x3;
	s0 =	sor.u32 @!p1 $0x1C05, s13  }
0x19: {  	s10 =	simm.s32 $0x4;
	[dreg:$0xa] =	wrdreg s0;
	s0 =	sshll.u32 @p0 s14, $0x6  }
0x1a: {  	s16 =	sshrl.u32 @!p1 s9, $0x3;
	s19 =	sor.u32 @p0 $0x1C05, s0;
	s0 =	simm.s32 $0x2  }
.LBB2_1:
0x1b: {  	s14 =	rddreg [dreg:$0x2]  }
0x1c: {  	s11 =	rddreg [dreg:$0xa]  }
0x1d: {  	[spmem:s16], [sflag:s11] =	dma.local @!p1 [hbm:s14], $0x2780  }
0x1e: {  	s11 =	simm.s32 @!p1 $0x5  }
0x1f: {  	_ =	swait.ge @!p1 [sflag:s11], $0x2780  }
0x20: {  	[sflag:s11] =	ssyncset.done @!p1 $0x0  }
0x21: {  	s13 =	rddreg [dreg:$0x6];
	[sflag:s11] =	ssyncadd.s32 @!p1 $0xFFFFD880;
	s11 =	simm.s32 @!p2 $0x1FC5  }
0x22: {  	[spmem:s17], [sflag:s11] =	dma.local @!p2 [hbm:s13], $0x2080  }
0x23: {  	s13 =	simm.s32 @!p2 $0x5  }
0x24: {  	_ =	swait.ge @!p2 [sflag:s13], $0x2080  }
0x25: {  	[sflag:s13] =	ssyncset.done @!p2 $0x0  }
0x26: {  	[sflag:s13] =	ssyncadd.s32 @!p2 $0xFFFFDF80  }
0x27: {  	[spmem:s18], [sflag:s11] =	dma.local @!p2 [hbm:s14], $0x700  }
0x28: {  	_ =	swait.ge @!p2 [sflag:s13], $0x700  }
0x29: {  	[sflag:s13] =	ssyncset.done @!p2 $0x0  }
0x2a: {  	s11 =	rddreg [dreg:$0x7];
	[sflag:s13] =	ssyncadd.s32 @!p2 $0xFFFFF900  }
0x2b: {  	[spmem:s20], [sflag:s19] =	dma.local @p0 [hbm:s11], $0x2780  }
0x2c: {  	s11 =	simm.s32 @p0 $0x5  }
0x2d: {  	_ =	swait.ge @p0 [sflag:s11], $0x2780  }
0x2e: {  	[sflag:s11] =	ssyncset.done @p0 $0x0  }
0x2f: {  	[sflag:s11] =	ssyncadd.s32 @p0 $0xFFFFD880  }
0x30: {  	s11 =	simm.s32 $0x0;
	[bflag:$0x0] =	sbarrier.arrive $0xFFFF  }
.LBB2_2:
0x31: {  	s13 =	sadd.s32 s7, s11  }
0x32: {  	s13 =	smul.u32 $0x500, s13;
	_ =	sdelay $0x1  }
0x33: {  	s14 =	sadd.s32 s2, s13  }
0x34: {  	[tilespmem:s23], [sflag:$0x5] =	stream.strided.gather [hbm4b:s14+s21], $0x1400, s22, s21, $0x38;
	[tilespmem:$0x1E500] =	vst v63  }
0x35: {  	_ =	swait.ge [sflag:s24], $0x1400  }
0x36: {  	[sflag:s24] =	ssyncset.done $0x0  }
0x37: {  	s13 =	sadd.s32 s13, s12;
	[sflag:s24] =	ssyncadd.s32 $0xFFFFEC00  }
0x38: {  	[tilespmem:s25], [sflag:$0x5] =	stream.strided.gather [hbm4b:s13+s21], $0x1400, s22, s21, $0x38;
	[tilespmem:$0x1E500] =	vst v63  }
0x39: {  	_ =	swait.ge [sflag:s24], $0x1400  }
0x3a: {  	[sflag:s24] =	ssyncset.done $0x0  }
0x3b: {  	[sflag:s24] =	ssyncadd.s32 $0xFFFFEC00  }
0x3c: {  	[tilespmem:s26], [sflag:$0x1] =	stream.indirect.gather [hbm4b:s1+s21], $0x80, s23, s21, $0xb8;
	[tilespmem:$0x1E500] =	vst v63  }
0x3d: {  	_ = 	snop  }
0x3e: {  	[tilespmem:s29], [sflag:$0x2] =	stream.indirect.gather [hbm4b:s1+s21], $0x80, s28, s21, $0xb8;
	[tilespmem:$0x1E500] =	vst v63  }
0x3f: {  	_ =	swait.ge [sflag:s30], $0x4000  }
0x40: {  	[sflag:s30] =	ssyncset.done $0x0  }
0x41: {  	s14 =	simm.s32 $0x0;
	[sflag:s30] =	ssyncadd.s32 $0xFFFFC000  }
0x42: {  	v0 =	vld [tilespmem:s14+$0x15000];
	_ =	sdelay $0x4  }
0x43: {  	[tilespmem:$0x16400] =	vst v0  }
0x44: {  	v0 =	vld [tilespmem:s14+$0x15010];
	_ =	sdelay $0x4  }
0x45: {  	[tilespmem:$0x16410] =	vst v0  }
0x46: {  	v0 =	vld [tilespmem:s14+$0x15020];
	_ =	sdelay $0x4  }
0x47: {  	[tilespmem:$0x16420] =	vst v0  }
0x48: {  	v0 =	vld [tilespmem:s14+$0x15030];
	_ =	sdelay $0x4  }
0x49: {  	[tilespmem:$0x16430] =	vst v0  }
0x4a: {  	v0 =	vld [tilespmem:s14+$0x15040];
	_ =	sdelay $0x4  }
0x4b: {  	[tilespmem:$0x16440] =	vst v0  }
0x4c: {  	v0 =	vld [tilespmem:s14+$0x15050];
	_ =	sdelay $0x4  }
0x4d: {  	[tilespmem:$0x16450] =	vst v0  }
0x4e: {  	v0 =	vld [tilespmem:s14+$0x15060];
	_ =	sdelay $0x4  }
0x4f: {  	[tilespmem:$0x16460] =	vst v0  }
0x50: {  	v0 =	vld [tilespmem:s14+$0x15070];
	_ =	sdelay $0x4  }
0x51: {  	[tilespmem:$0x16470] =	vst v0  }
0x52: {  	[spmem:s4] =	stream.indirect.scatter.add.f32 [tilespmem:s26], [sflag:$0x3], $0x80, s31, s21, $0xb8;
	[tilespmem:$0x1E500] =	vst v63  }
0x53: {  	_ =	swait.ge [sflag:s0], $0x4000  }
0x54: {  	[sflag:s0] =	ssyncset.done $0x0  }
0x55: {  	[sflag:s0] =	ssyncadd.s32 $0xFFFFC000  }
0x56: {  	v63 =	vld [tilespmem:s14+$0x15080];
	_ =	sdelay $0x4  }
0x57: {  	[tilespmem:$0x16480] =	vst v63  }
0x58: {  	v0 =	vld [tilespmem:s14+$0x15090];
	_ =	sdelay $0x4  }
0x59: {  	[tilespmem:$0x16490] =	vst v0  }
0x5a: {  	v0 =	vld [tilespmem:s14+$0x150A0];
	_ =	sdelay $0x4  }
0x5b: {  	[tilespmem:$0x164A0] =	vst v0  }
0x5c: {  	v0 =	vld [tilespmem:s14+$0x150B0];
	_ =	sdelay $0x4  }
0x5d: {  	[tilespmem:$0x164B0] =	vst v0  }
0x5e: {  	v0 =	vld [tilespmem:s14+$0x150C0];
	_ =	sdelay $0x4  }
0x5f: {  	[tilespmem:$0x164C0] =	vst v0  }
0x60: {  	v0 =	vld [tilespmem:s14+$0x150D0];
	_ =	sdelay $0x4  }
0x61: {  	[tilespmem:$0x164D0] =	vst v0  }
0x62: {  	v0 =	vld [tilespmem:s14+$0x150E0];
	_ =	sdelay $0x4  }
0x63: {  	[tilespmem:$0x164E0] =	vst v0  }
0x64: {  	v0 =	vld [tilespmem:s14+$0x150F0];
	_ =	sdelay $0x4  }
0x65: {  	[tilespmem:$0x164F0] =	vst v0  }
0x66: {  	[spmem:s4] =	stream.indirect.scatter.add.f32 [tilespmem:s29], [sflag:$0x4], $0x80, s6, s21, $0xb8;
	[tilespmem:$0x1E500] =	vst v63  }
0x67: {  	_ =	swait.ge [sflag:s3], $0x4000  }
0x68: {  	[sflag:s3] =	ssyncset.done $0x0  }
0x69: {  	s15 =	simm.s32 $0x13D00;
	[sflag:s3] =	ssyncadd.s32 $0xFFFFC000  }
0x6a: {  	[tilespmem:s26], [sflag:$0x1] =	stream.indirect.gather [hbm4b:s1+s21], $0x80, s15, s21, $0xb8;
	[tilespmem:$0x1E500] =	vst v63  }
0x6b: {  	_ =	swait.ge [sflag:s10], $0x4000  }
0x6c: {  	[sflag:s10] =	ssyncset.done $0x0  }
0x6d: {  	s13 =	simm.s32 $0x400;
	s14 =	simm.s32 $0x13D80;
	[sflag:s10] =	ssyncadd.s32 $0xFFFFC000  }
.LBB2_3:
0x6e: {  	[tilespmem:s29], [sflag:$0x2] =	stream.indirect.gather [hbm4b:s1+s21], $0x80, s14, s21, $0xb8;
	[tilespmem:$0x1E500] =	vst v63  }
0x6f: {  	s14 =	smov.u32 s13  }
0x70: {  	p3 =	sne.s32 s13, $0x4800;
	s13 =	sadd.s32 $0x400, s13;
	_ =	swait.ge [sflag:s30], $0x4000  }
0x71: {  	[sflag:s30] =	ssyncset.done $0x0  }
0x72: {  	s14 =	sshra.s32 s14, $0x2;
	[sflag:s30] =	ssyncadd.s32 $0xFFFFC000  }
0x73: {  	v0 =	vld [tilespmem:s14+$0x15000];
	_ =	sdelay $0x4  }
0x74: {  	[tilespmem:$0x16400] =	vst v0  }
0x75: {  	v0 =	vld [tilespmem:s14+$0x15010];
	_ =	sdelay $0x4  }
0x76: {  	[tilespmem:$0x16410] =	vst v0  }
0x77: {  	v0 =	vld [tilespmem:s14+$0x15020];
	_ =	sdelay $0x4  }
0x78: {  	[tilespmem:$0x16420] =	vst v0  }
0x79: {  	v0 =	vld [tilespmem:s14+$0x15030];
	_ =	sdelay $0x4  }
0x7a: {  	[tilespmem:$0x16430] =	vst v0  }
0x7b: {  	v0 =	vld [tilespmem:s14+$0x15040];
	_ =	sdelay $0x4  }
0x7c: {  	[tilespmem:$0x16440] =	vst v0  }
0x7d: {  	v0 =	vld [tilespmem:s14+$0x15050];
	_ =	sdelay $0x4  }
0x7e: {  	[tilespmem:$0x16450] =	vst v0  }
0x7f: {  	v0 =	vld [tilespmem:s14+$0x15060];
	_ =	sdelay $0x4  }
0x80: {  	[tilespmem:$0x16460] =	vst v0  }
0x81: {  	v0 =	vld [tilespmem:s14+$0x15070];
	_ =	sdelay $0x4  }
0x82: {  	[tilespmem:$0x16470] =	vst v0  }
0x83: {  	[spmem:s4] =	stream.indirect.scatter.add.f32 [tilespmem:s26], [sflag:$0x3], $0x80, s31, s21, $0xb8;
	[tilespmem:$0x1E500] =	vst v63  }
0x84: {  	_ =	swait.ge [sflag:s0], $0x4000  }
0x85: {  	[sflag:s0] =	ssyncset.done $0x0  }
0x86: {  	[sflag:s0] =	ssyncadd.s32 $0xFFFFC000  }
0x87: {  	v0 =	vld [tilespmem:s14+$0x15080];
	_ =	sdelay $0x4  }
0x88: {  	[tilespmem:$0x16480] =	vst v0  }
0x89: {  	v0 =	vld [tilespmem:s14+$0x15090];
	_ =	sdelay $0x4  }
0x8a: {  	[tilespmem:$0x16490] =	vst v0  }
0x8b: {  	v0 =	vld [tilespmem:s14+$0x150A0];
	_ =	sdelay $0x4  }
0x8c: {  	[tilespmem:$0x164A0] =	vst v0  }
0x8d: {  	v0 =	vld [tilespmem:s14+$0x150B0];
	_ =	sdelay $0x4  }
0x8e: {  	[tilespmem:$0x164B0] =	vst v0  }
0x8f: {  	v0 =	vld [tilespmem:s14+$0x150C0];
	_ =	sdelay $0x4  }
0x90: {  	[tilespmem:$0x164C0] =	vst v0  }
0x91: {  	v0 =	vld [tilespmem:s14+$0x150D0];
	_ =	sdelay $0x4  }
0x92: {  	[tilespmem:$0x164D0] =	vst v0  }
0x93: {  	v0 =	vld [tilespmem:s14+$0x150E0];
	_ =	sdelay $0x4  }
0x94: {  	[tilespmem:$0x164E0] =	vst v0  }
0x95: {  	v0 =	vld [tilespmem:s14+$0x150F0];
	_ =	sdelay $0x4  }
0x96: {  	[tilespmem:$0x164F0] =	vst v0  }
0x97: {  	[spmem:s4] =	stream.indirect.scatter.add.f32 [tilespmem:s29], [sflag:$0x4], $0x80, s6, s21, $0xb8;
	[tilespmem:$0x1E500] =	vst v63  }
0x98: {  	_ =	swait.ge [sflag:s3], $0x4000  }
0x99: {  	[sflag:s3] =	ssyncset.done $0x0  }
.Ltmp0:
0x9a: {  	s15 =	sadd.s32 $0x13D00, s14;
	[sflag:s3] =	ssyncadd.s32 $0xFFFFC000;
	(pc) =	sbr.rel @p3 .LBB2_3-.Ltmp0, $4  }
0x9b: {  	[tilespmem:s26], [sflag:$0x1] =	stream.indirect.gather [hbm4b:s1+s21], $0x80, s15, s21, $0xb8;
	[tilespmem:$0x1E500] =	vst v63  }
0x9c: {  	_ =	swait.ge [sflag:s10], $0x4000  }
0x9d: {  	[sflag:s10] =	ssyncset.done $0x0  }
0x9e: {  	s14 =	sadd.s32 $0x13D80, s14;
	[sflag:s10] =	ssyncadd.s32 $0xFFFFC000  }
0x9f: {  	[tilespmem:s29], [sflag:$0x2] =	stream.indirect.gather [hbm4b:s1+s21], $0x80, s14, s21, $0xb8;
	[tilespmem:$0x1E500] =	vst v63  }
0xa0: {  	_ =	swait.ge [sflag:s30], $0x4000  }
0xa1: {  	[sflag:s30] =	ssyncset.done $0x0  }
0xa2: {  	[sflag:s30] =	ssyncadd.s32 $0xFFFFC000  }
0xa3: {  	v0 =	vld [tilespmem:$0x16300]  }
0xa4: {  	v1 =	vld [tilespmem:$0x16310]  }
0xa5: {  	v2 =	vld [tilespmem:$0x16320]  }
0xa6: {  	v3 =	vld [tilespmem:$0x16330]  }
0xa7: {  	v4 =	vld [tilespmem:$0x16340]  }
0xa8: {  	v53 =	vld [tilespmem:$0x16350];
	[tilespmem:$0x16400] =	vst v0  }
0xa9: {  	v54 =	vld [tilespmem:$0x16360];
	[tilespmem:$0x16410] =	vst v1  }
0xaa: {  	v55 =	vld [tilespmem:$0x16370];
	[tilespmem:$0x16420] =	vst v2  }
0xab: {  	[tilespmem:$0x16430] =	vst v3  }
0xac: {  	[tilespmem:$0x16440] =	vst v4  }
0xad: {  	[tilespmem:$0x16450] =	vst v53  }
0xae: {  	[tilespmem:$0x16460] =	vst v54  }
0xaf: {  	[tilespmem:$0x16470] =	vst v55  }
0xb0: {  	[spmem:s4] =	stream.indirect.scatter.add.f32 [tilespmem:s26], [sflag:$0x3], $0x80, s31, s21, $0xb8;
	[tilespmem:$0x1E500] =	vst v63  }
0xb1: {  	_ =	swait.ge [sflag:s0], $0x4000  }
0xb2: {  	[sflag:s0] =	ssyncset.done $0x0  }
0xb3: {  	[sflag:s0] =	ssyncadd.s32 $0xFFFFC000  }
0xb4: {  	v56 =	vld [tilespmem:$0x16380]  }
0xb5: {  	v57 =	vld [tilespmem:$0x16390]  }
0xb6: {  	v58 =	vld [tilespmem:$0x163A0]  }
0xb7: {  	v59 =	vld [tilespmem:$0x163B0]  }
0xb8: {  	v60 =	vld [tilespmem:$0x163C0]  }
0xb9: {  	v61 =	vld [tilespmem:$0x163D0];
	[tilespmem:$0x16480] =	vst v56  }
0xba: {  	v62 =	vld [tilespmem:$0x163E0];
	[tilespmem:$0x16490] =	vst v57  }
0xbb: {  	v63 =	vld [tilespmem:$0x163F0];
	[tilespmem:$0x164A0] =	vst v58  }
0xbc: {  	[tilespmem:$0x164B0] =	vst v59  }
0xbd: {  	[tilespmem:$0x164C0] =	vst v60  }
0xbe: {  	[tilespmem:$0x164D0] =	vst v61  }
0xbf: {  	[tilespmem:$0x164E0] =	vst v62  }
0xc0: {  	s11 =	sadd.s32 $0x1, s11;
	[tilespmem:$0x164F0] =	vst v63  }
0xc1: {  	[spmem:s4] =	stream.indirect.scatter.add.f32 [tilespmem:s29], [sflag:$0x4], $0x80, s6, s21, $0xb8;
	[tilespmem:$0x1E500] =	vst v63  }
0xc2: {  	p3 =	sne.s32 s11, s8;
	_ =	swait.ge [sflag:s3], $0x4000  }
.Ltmp1:
0xc3: {  	[sflag:s3] =	ssyncset.done $0x0;
	(pc) =	sbr.rel @p3 .LBB2_2-.Ltmp1, $4  }
0xc4: {  	[sflag:s3] =	ssyncadd.s32 $0xFFFFC000  }
0xc5: {  	_ =	swait.ge [sflag:s10], $0x4000  }
0xc6: {  	[sflag:s10] =	ssyncset.done $0x0  }
0xc7: {  	[sflag:s10] =	ssyncadd.s32 $0xFFFFC000  }
0xc8: {  	s11 =	stileid.u32  }
0xc9: {  	[bflag:$0x0] =	sbarrier.arrive $0xFFFF;
	s11 =	sshll.u32 s11, $0x6  }
0xca: {  	s13 =	sshrl.u32 s9, $0x3;
	s14 =	rddreg [dreg:$0x9];
	s11 =	sor.u32 $0x1C05, s11  }
0xcb: {  	[hbm:s14], [sflag:s11] =	dma.local [spmem:s13], $0x2780  }
0xcc: {  	_ =	swait.ge [sflag:s24], $0x2780  }
0xcd: {  	s5 =	sadd.s32 $0x1, s5;
	s15 =	rddreg [dreg:$0x8]  }
0xce: {  	p3 =	sne.s32 s5, s15  }
.Ltmp2:
0xcf: {  	_ = 	snop;
	(pc) =	sbr.rel @p3 .LBB2_1-.Ltmp2, $3  }
0xd0: {  	_ =	sdelay $0x1  }
0xd1: {  	[sflag:s24] =	ssyncset.done $0x0  }
0xd2: {  	[sflag:s24] =	ssyncadd.s32 $0xFFFFD880  }
0xd3: {  	_ =	sfence.sel $0x180000  }
0xd4: {  	[bflag:$0x0] =	sbarrier.arrive $0xFFFF  }
0xd5: {  	_ =	strace $0x90000047  }
0xd6: {  	s0 =	stileid.u32;
	[bflag:$0x2] =	sbarrier.arrive $0xFFFF  }
0xd7: {  	p0 =	sne.s32 s0, $0x0;
	s0 =	rddreg [dreg:$0x5]  }
0xd8: {  	s0 =	sadd.s32 @!p0 $0x100000, s0  }
0xd9: {  	[sflag:s0] =	ssyncadd.tile.s32 @!p0 $0x1;
	_ =	shalt  }
.Lfunc_end2:
_tile_overlayer_lowered:
.L_overlay_start_2:
0xda: {  	(tag) =	ssettag $0x2  }
0xdb: {  	s0 =	rddreg [dreg:$0x0];
	s2 =	stileid.u32  }
0xdc: {  	s1 =	rddreg [dreg:$0x1];
	p0 =	sne.s32 s2, $0x0  }
0xdd: {  	s3 =	rddreg [dreg:$0x2];
	[bflag:$0x3] =	sbarrier.arrive $0xFFFF;
	s2 =	simm.s32 @!p0 $0x1C05  }
0xde: {  	[timem:s3], [sflag:s2] =	dma.local @!p0 [hbm:s0], s1  }
0xdf: {  	s0 =	simm.s32 @!p0 $0x5  }
0xe0: {  	_ =	swait.ge @!p0 [sflag:s0], s1  }
0xe1: {  	s1 =	ssub.s32 @!p0 $0x0, s1;
	[sflag:s0] =	ssyncset.done @!p0 $0x0  }
0xe2: {  	[sflag:s0] =	ssyncadd.s32 @!p0 s1  }
0xe3: {  	[bflag:$0x3] =	sbarrier.arrive $0xFFFF  }
0xe4: {  	_ =	shalt  }

</sc_bundles>
